<compile_context>
chip_gen: v7x
topology: tpu7x:2x2x1
jax: 0.10.2.dev20260603
libtpu: 0.0.44.dev20260713+nightly
codegen_flags: <defaults>
</compile_context>

<pallas_src>
import functools

import jax
import jax.numpy as jnp
from jax import lax
from jax.experimental import pallas as pl
from jax.experimental.pallas import tpu as pltpu
from jax.experimental.pallas import tpu_sc as plsc

N = 10000
E = 320000
H = 128

NT = 16
K = 64
IB = 64
NBLK = 5
EPT_RAW = E // NT
EPT = NBLK * IB * K
PAD = EPT - EPT_RAW
ACC_ROWS = 10240
ROWS_PER_TILE = ACC_ROWS // NT

_mesh = plsc.VectorSubcoreMesh(core_axis_name="c", subcore_axis_name="s")


@functools.partial(
    pl.kernel,
    out_type=[
        jax.ShapeDtypeStruct((ACC_ROWS, H), jnp.float32),
        jax.ShapeDtypeStruct((ACC_ROWS, H), jnp.float32),
    ],
    mesh=_mesh,
    scratch_types=[
        pltpu.VMEM((IB, K), jnp.int32),
        pltpu.VMEM((IB, K), jnp.int32),
        pltpu.VMEM((4, K, H), jnp.float32),
        pltpu.VMEM_SHARED((ACC_ROWS, H), jnp.float32),
        [pltpu.SemaphoreType.DMA] * 4,
        [pltpu.SemaphoreType.DMA] * 4,
    ],
)
def _segment_sums(h_hbm, c_hbm, src_hbm, dst_hbm, hsum_hbm, csum_hbm,
                  src_v, dst_v, bufs, acc_sh, gsems, ssems):
    ci = lax.axis_index("c")
    si = lax.axis_index("s")
    buf = [bufs.at[m] for m in range(4)]

    zeros16 = jnp.zeros((16,), jnp.float32)
    def _zrow(r, carry):
        def _zcol(j, carry2):
            bufs[0, r, pl.ds(j * 16, 16)] = zeros16
            return carry2
        return lax.fori_loop(0, H // 16, _zcol, carry)
    lax.fori_loop(0, K, _zrow, 0)
    def _zcopy(r, carry):
        pltpu.sync_copy(buf[0], acc_sh.at[pl.ds(si * ROWS_PER_TILE + r * K, K)])
        return carry
    lax.fori_loop(0, ROWS_PER_TILE // K, _zcopy, 0)
    plsc.subcore_barrier()

    def _run(table_hbm):
        def gfire(j, m):
            pltpu.async_copy(table_hbm.at[src_v.at[j]], buf[m], gsems[m])
        def gwait(m):
            pltpu.make_async_copy(table_hbm.at[src_v.at[0]],
                                  buf[m], gsems[m]).wait()
        def sfire(j, m):
            pltpu.async_copy(buf[m], acc_sh.at[dst_v.at[j]], ssems[m],
                             add=True)
        def swait(m):
            pltpu.make_async_copy(buf[m], acc_sh.at[dst_v.at[0]],
                                  ssems[m]).wait()

        def blk(b, carry):
            pltpu.sync_copy(src_hbm.at[si, b], src_v)
            pltpu.sync_copy(dst_hbm.at[si, b], dst_v)
            gfire(0, 0)
            gfire(1, 1)
            gfire(2, 2)
            gwait(0)
            sfire(0, 0)
            gfire(3, 3)
            gwait(1)
            sfire(1, 1)
            def grp(jg, c2):
                jb = 4 * jg + 2
                for m in range(4):
                    j = jb + m
                    swait(m)
                    gfire(j + 2, m)
                    bs = (2 + m) % 4
                    gwait(bs)
                    sfire(j, bs)
                return c2
            lax.fori_loop(0, (IB - 4) // 4, grp, 0)
            gwait(2)
            sfire(IB - 2, 2)
            gwait(3)
            sfire(IB - 1, 3)
            swait(0)
            swait(1)
            swait(2)
            swait(3)
            return carry
        lax.fori_loop(0, NBLK, blk, 0)

    @pl.when(ci == 0)
    def _():
        _run(h_hbm)

    @pl.when(ci == 1)
    def _():
        _run(c_hbm)

    plsc.subcore_barrier()

    base = si * ROWS_PER_TILE

    @pl.when(ci == 0)
    def _():
        pltpu.sync_copy(acc_sh.at[pl.ds(base, ROWS_PER_TILE)],
                        hsum_hbm.at[pl.ds(base, ROWS_PER_TILE)])

    @pl.when(ci == 1)
    def _():
        pltpu.sync_copy(acc_sh.at[pl.ds(base, ROWS_PER_TILE)],
                        csum_hbm.at[pl.ds(base, ROWS_PER_TILE)])


BLK = 400


def _gates_body(hs_ref, cs_ref, ufw_ref, ufb_ref, uiou_ref, biou_ref,
                hnew_ref, cnew_ref):
    hs = hs_ref[...]
    dn = (((1,), (1,)), ((), ()))
    f = jax.nn.sigmoid(
        lax.dot_general(hs, ufw_ref[...], dn,
                        preferred_element_type=jnp.float32) + ufb_ref[...])
    c_agg = f * cs_ref[...]
    iou = lax.dot_general(hs, uiou_ref[...], dn,
                          preferred_element_type=jnp.float32) + biou_ref[...]
    i_g = jax.nn.sigmoid(iou[:, :H])
    o_g = jax.nn.sigmoid(iou[:, H:2 * H])
    u_g = jnp.tanh(iou[:, 2 * H:])
    c_new = i_g * u_g + c_agg
    cnew_ref[...] = c_new
    hnew_ref[...] = o_g * jnp.tanh(c_new)


_gates = pl.pallas_call(
    _gates_body,
    grid=(N // BLK,),
    in_specs=[
        pl.BlockSpec((BLK, H), lambda i: (i, 0)),
        pl.BlockSpec((BLK, H), lambda i: (i, 0)),
        pl.BlockSpec((H, H), lambda i: (0, 0)),
        pl.BlockSpec((1, H), lambda i: (0, 0)),
        pl.BlockSpec((3 * H, H), lambda i: (0, 0)),
        pl.BlockSpec((1, 3 * H), lambda i: (0, 0)),
    ],
    out_specs=[
        pl.BlockSpec((BLK, H), lambda i: (i, 0)),
        pl.BlockSpec((BLK, H), lambda i: (i, 0)),
    ],
    out_shape=[
        jax.ShapeDtypeStruct((N, H), jnp.float32),
        jax.ShapeDtypeStruct((N, H), jnp.float32),
    ],
)


@jax.jit
def kernel(h, c, edge_index, U_iou_W, U_f_W, U_f_b, b_iou):
    src = edge_index[0]
    dst = edge_index[1]
    src_p = jnp.concatenate(
        [src.reshape(NT, EPT_RAW),
         jnp.zeros((NT, PAD), jnp.int32)], axis=1).reshape(NT, NBLK, IB, K)
    dst_p = jnp.concatenate(
        [dst.reshape(NT, EPT_RAW),
         jnp.full((NT, PAD), N, jnp.int32)], axis=1).reshape(NT, NBLK, IB, K)
    h_sum, c_sum = _segment_sums(h, c, src_p, dst_p)
    h_new, c_new = _gates(h_sum, c_sum, U_f_W, U_f_b.reshape(1, H),
                          U_iou_W, b_iou)
    return (h_new, c_new)

# --- scband reference (transcript-rebuilt; emitter-appended) ---
"""Pipeline reference for scband-tree-lstmcell-25254407701042 (READ-ONLY COPY).

The authoritative reference and input builder live on the scoring server;
editing this copy changes nothing except your own understanding.
"""

import jax, jax.numpy as jnp
import numpy as np

N_NODES = 10000
N_EDGES = 320000
X_SIZE = 128
H_SIZE = 128


def setup_inputs(seed: int = 0) -> dict:
    key = jax.random.key(seed)
    k1, k2, k3, k4, k5, k6 = jax.random.split(key, 6)
    h = jax.random.normal(k1, (N_NODES, H_SIZE), dtype=jnp.float32)
    c = jax.random.normal(k2, (N_NODES, H_SIZE), dtype=jnp.float32)
    edge_index = jax.random.randint(k3, (2, N_EDGES), 0, N_NODES, dtype=jnp.int32)
    # Learned parameters (torch nn.Linear convention: weight shape [out, in])
    U_iou_W = jax.random.normal(k4, (3 * H_SIZE, H_SIZE), dtype=jnp.float32) * (1.0 / np.sqrt(H_SIZE))
    U_f_W = jax.random.normal(k5, (H_SIZE, H_SIZE), dtype=jnp.float32) * (1.0 / np.sqrt(H_SIZE))
    U_f_b = jax.random.normal(k6, (H_SIZE,), dtype=jnp.float32) * (1.0 / np.sqrt(H_SIZE))
    b_iou = jnp.zeros((1, 3 * H_SIZE), dtype=jnp.float32)
    return {
        "h": h,
        "c": c,
        "edge_index": edge_index,
        "U_iou_W": U_iou_W,
        "U_f_W": U_f_W,
        "U_f_b": U_f_b,
        "b_iou": b_iou,
    }


def reference(h, c, edge_index, U_iou_W, U_f_W, U_f_b, b_iou):
    # message_func: gather src h and c along edges
    src = edge_index[0]
    dst = edge_index[1]
    h_msg = jnp.take(h, src, axis=0)   # [E, H]
    c_msg = jnp.take(c, src, axis=0)   # [E, H]
    # reduce_func (mode='sum'): sum mailbox over incoming edges per dst node
    h_sum = jax.ops.segment_sum(h_msg, dst, num_segments=N_NODES)  # [N, H]
    c_sum = jax.ops.segment_sum(c_msg, dst, num_segments=N_NODES)  # [N, H]
    f = jax.nn.sigmoid(h_sum @ U_f_W.T + U_f_b)                    # [N, H]
    c_agg = f * c_sum                                              # [N, H]
    iou = h_sum @ U_iou_W.T                                        # [N, 3H]
    # apply_node_func
    iou = iou + b_iou
    i, o, u = jnp.split(iou, 3, axis=1)
    i = jax.nn.sigmoid(i)
    o = jax.nn.sigmoid(o)
    u = jnp.tanh(u)
    c_new = i * u + c_agg
    h_new = o * jnp.tanh(c_new)
    return (h_new, c_new)

if __name__ == "__main__":
    import jax
    _d = setup_inputs()
    print(jax.jit(kernel)(*tuple(_d.values())))

</pallas_src>

<mosaic_0001>
#map = affine_map<(d0, d1) -> (0, 0)>
#map1 = affine_map<(d0, d1) -> (0, 0, 0, 0)>
module attributes {stable_mosaic.version = 14 : i64} {
  func.func @_segment_sums(%arg0: i32, %arg1: i32, %arg2: memref<10000x128xf32, #tpu.memory_space<hbm>>, %arg3: memref<10000x128xf32, #tpu.memory_space<hbm>>, %arg4: memref<16x5x64x64xi32, #tpu.memory_space<hbm>>, %arg5: memref<16x5x64x64xi32, #tpu.memory_space<hbm>>, %arg6: memref<10240x128xf32, #tpu.memory_space<hbm>>, %arg7: memref<10240x128xf32, #tpu.memory_space<hbm>>, %arg8: memref<64x64xi32, #tpu.memory_space<vmem>>, %arg9: memref<64x64xi32, #tpu.memory_space<vmem>>, %arg10: memref<4x64x128xf32, #tpu.memory_space<vmem>>, %arg11: memref<10240x128xf32, #tpu.memory_space<vmem_shared>>, %arg12: memref<!tpu.dma_semaphore, #tpu.memory_space<semaphore_mem>>, %arg13: memref<!tpu.dma_semaphore, #tpu.memory_space<semaphore_mem>>, %arg14: memref<!tpu.dma_semaphore, #tpu.memory_space<semaphore_mem>>, %arg15: memref<!tpu.dma_semaphore, #tpu.memory_space<semaphore_mem>>, %arg16: memref<!tpu.dma_semaphore, #tpu.memory_space<semaphore_mem>>, %arg17: memref<!tpu.dma_semaphore, #tpu.memory_space<semaphore_mem>>, %arg18: memref<!tpu.dma_semaphore, #tpu.memory_space<semaphore_mem>>, %arg19: memref<!tpu.dma_semaphore, #tpu.memory_space<semaphore_mem>>) attributes {dimension_semantics = [#tpu.dimension_semantics<core_parallel>, #tpu.dimension_semantics<subcore_parallel>], iteration_bounds = array<i64: 2, 16>, scalar_prefetch = 0 : i64, scratch_operands = 12 : i64, tpu.core_type = #tpu.core_type<sc_vector_subcore>, window_params = [{transform_indices = #map}, {transform_indices = #map}, {transform_indices = #map1}, {transform_indices = #map1}, {transform_indices = #map}, {transform_indices = #map}]} {
    %broadcast_in_dim3A = arith.constant 0.000000e+00 : f32
    %broadcast_in_dim3A_0 = vector.broadcast %broadcast_in_dim3A : f32 to vector<16xf32>
    %scan3A = arith.constant 0 : i32
    %scan3A_1 = arith.constant 0 : i32
    %scan3A_2 = arith.constant 64 : i32
    %scan3A_3 = arith.addi %scan3A_1, %scan3A_2 : i32
    %scan3A_4 = arith.constant 1 : i32
    scf.for %scan3A_40 = %scan3A_1 to %scan3A_3 step %scan3A_4  : i32 {
      %scan3A_41 = arith.constant 0 : i32
      %scan3A_42 = arith.constant 8 : i32
      %scan3A_43 = arith.addi %scan3A_41, %scan3A_42 : i32
      %scan3A_44 = arith.constant 1 : i32
      scf.for %scan3A_46 = %scan3A_41 to %scan3A_43 step %scan3A_44  : i32 {
        %mul3A_47 = arith.constant 16 : i32
        %mul3A_48 = arith.muli %scan3A_46, %mul3A_47 : i32
        %swap3A = arith.constant 0 : i32
        %swap3A_49 = arith.index_cast %swap3A : i32 to index
        %swap3A_50 = arith.index_cast %scan3A_40 : i32 to index
        %swap3A_51 = arith.index_cast %mul3A_48 : i32 to index
        %swap3A_52 = tpu.vector_load %arg10[%swap3A_49, %swap3A_50, %swap3A_51] {strides = array<i32>} : memref<4x64x128xf32, #tpu.memory_space<vmem>>, vector<1x1x16xf32>,
        %swap3A_53 = vector.shape_cast %swap3A_52 : vector<1x1x16xf32> to vector<16xf32>
        %swap3A_54 = vector.shape_cast %broadcast_in_dim3A_0 : vector<16xf32> to vector<1x1x16xf32>
        tpu.vector_store %arg10[%swap3A_49, %swap3A_50, %swap3A_51], %swap3A_54 {strides = array<i32>} : memref<4x64x128xf32, #tpu.memory_space<vmem>>, vector<1x1x16xf32>,
      }
      %scan3A_45 = arith.constant 8 : i32
    }
    %scan3A_5 = arith.constant 64 : i32
    %scan3A_6 = arith.constant 0 : i32
    %scan3A_7 = arith.constant 0 : i32
    %scan3A_8 = arith.constant 0 : i32
    %scan3A_9 = arith.constant 10 : i32
    %scan3A_10 = arith.addi %scan3A_8, %scan3A_9 : i32
    %scan3A_11 = arith.constant 1 : i32
    scf.for %scan3A_40 = %scan3A_8 to %scan3A_10 step %scan3A_11  : i32 {
      %mul3A_41 = arith.constant 640 : i32
      %mul3A_42 = arith.muli %arg1, %mul3A_41 : i32
      %mul3A_43 = arith.constant 64 : i32
      %mul3A_44 = arith.muli %scan3A_40, %mul3A_43 : i32
      %add3A = arith.addi %mul3A_42, %mul3A_44 : i32
      "tpu.region"() ({
        %run_scoped3A = tpu.sem_alloc : memref<!tpu.dma_semaphore, #tpu.memory_space<semaphore_mem>>
        %dma_start3A = arith.constant 0 : i32
        %dma_start3A_45 = arith.constant 0 : i32
        %dma_start3A_46 = tpu.memref_slice %arg10[%scan3A_7, %dma_start3A, %dma_start3A_45] : memref<4x64x128xf32, #tpu.memory_space<vmem>> -> memref<1x64x128xf32, #tpu.memory_space<vmem>>
        %dma_start3A_47 = tpu.memref_squeeze %dma_start3A_46 : memref<1x64x128xf32, #tpu.memory_space<vmem>> -> memref<64x128xf32, #tpu.memory_space<vmem>>
        %dma_start3A_48 = arith.constant 0 : i32
        %dma_start3A_49 = tpu.memref_slice %arg11[%add3A, %dma_start3A_48] : memref<10240x128xf32, #tpu.memory_space<vmem_shared>> -> memref<64x128xf32, #tpu.memory_space<vmem_shared>>
        %dma_start3A_50 = arith.constant 0 : i32
        %dma_start3A_51 = tpu.memref_slice %arg11[%add3A, %dma_start3A_50] : memref<10240x128xf32, #tpu.memory_space<vmem_shared>> -> memref<64x128xf32, #tpu.memory_space<vmem_shared>>
        %dma_start3A_52 = arith.constant 0 : i32
        %dma_start3A_53 = arith.constant 0 : i32
        %dma_start3A_54 = tpu.memref_slice %arg10[%scan3A_7, %dma_start3A_52, %dma_start3A_53] : memref<4x64x128xf32, #tpu.memory_space<vmem>> -> memref<1x64x128xf32, #tpu.memory_space<vmem>>
        %dma_start3A_55 = tpu.memref_squeeze %dma_start3A_54 : memref<1x64x128xf32, #tpu.memory_space<vmem>> -> memref<64x128xf32, #tpu.memory_space<vmem>>
        tpu.enqueue_dma source(%dma_start3A_55 : memref<64x128xf32, #tpu.memory_space<vmem>>) target(%dma_start3A_51 : memref<64x128xf32, #tpu.memory_space<vmem_shared>>) target_semaphore(%run_scoped3A : memref<!tpu.dma_semaphore, #tpu.memory_space<semaphore_mem>>)
        %dma_wait3A = arith.constant 0 : i32
        %dma_wait3A_56 = arith.constant 0 : i32
        %dma_wait3A_57 = tpu.memref_slice %arg10[%scan3A_7, %dma_wait3A, %dma_wait3A_56] : memref<4x64x128xf32, #tpu.memory_space<vmem>> -> memref<1x64x128xf32, #tpu.memory_space<vmem>>
        %dma_wait3A_58 = tpu.memref_squeeze %dma_wait3A_57 : memref<1x64x128xf32, #tpu.memory_space<vmem>> -> memref<64x128xf32, #tpu.memory_space<vmem>>
        %dma_wait3A_59 = arith.constant 0 : i32
        %dma_wait3A_60 = tpu.memref_slice %arg11[%add3A, %dma_wait3A_59] : memref<10240x128xf32, #tpu.memory_space<vmem_shared>> -> memref<64x128xf32, #tpu.memory_space<vmem_shared>>
        %dma_wait3A_61 = arith.constant 0 : i32
        %dma_wait3A_62 = tpu.memref_slice %arg11[%add3A, %dma_wait3A_61] : memref<10240x128xf32, #tpu.memory_space<vmem_shared>> -> memref<64x128xf32, #tpu.memory_space<vmem_shared>>
        %dma_wait3A_63 = arith.constant 0 : i32
        %dma_wait3A_64 = arith.constant 0 : i32
        %dma_wait3A_65 = tpu.memref_slice %arg10[%scan3A_7, %dma_wait3A_63, %dma_wait3A_64] : memref<4x64x128xf32, #tpu.memory_space<vmem>> -> memref<1x64x128xf32, #tpu.memory_space<vmem>>
        %dma_wait3A_66 = tpu.memref_squeeze %dma_wait3A_65 : memref<1x64x128xf32, #tpu.memory_space<vmem>> -> memref<64x128xf32, #tpu.memory_space<vmem>>
        tpu.wait_dma2 semaphore(%run_scoped3A : memref<!tpu.dma_semaphore, #tpu.memory_space<semaphore_mem>>) src(%dma_wait3A_66 : memref<64x128xf32, #tpu.memory_space<vmem>>) dst(%dma_wait3A_62 : memref<64x128xf32, #tpu.memory_space<vmem_shared>>)
        tpu.yield
      }) : () -> ()
    }
    %scan3A_12 = arith.constant 10 : i32
    %barrier3A = arith.constant 0 : index
    tpu.barrier barrier_id(%barrier3A)
    %eq3A = arith.constant 0 : i32
    %eq3A_13 = arith.cmpi eq, %arg0, %eq3A : i32
    %convert_element_type3A = arith.extui %eq3A_13 : i1 to i32
    %cond3A = arith.constant 0 : i32
    %cond3A_14 = arith.constant 1 : i32
    %cond3A_15 = arith.constant 2 : i32
    %cond3A_16 = arith.constant 3 : i32
    %cond3A_17 = arith.constant 0 : i32
    %cond3A_18 = arith.cmpi ne, %convert_element_type3A, %cond3A_17 : i32
    scf.if %cond3A_18 {
      %scan3A_40 = arith.constant 0 : i32
      %scan3A_41 = arith.constant 0 : i32
      %scan3A_42 = arith.constant 5 : i32
      %scan3A_43 = arith.addi %scan3A_41, %scan3A_42 : i32
      %scan3A_44 = arith.constant 1 : i32
      scf.for %scan3A_46 = %scan3A_41 to %scan3A_43 step %scan3A_44  : i32 {
        "tpu.region"() ({
          %run_scoped3A = tpu.sem_alloc : memref<!tpu.dma_semaphore, #tpu.memory_space<semaphore_mem>>
          %dma_start3A_227 = arith.constant 0 : i32
          %dma_start3A_228 = arith.constant 0 : i32
          %dma_start3A_229 = tpu.memref_slice %arg4[%arg1, %scan3A_46, %dma_start3A_227, %dma_start3A_228] : memref<16x5x64x64xi32, #tpu.memory_space<hbm>> -> memref<1x1x64x64xi32, #tpu.memory_space<hbm>>
          %dma_start3A_230 = tpu.memref_squeeze %dma_start3A_229 : memref<1x1x64x64xi32, #tpu.memory_space<hbm>> -> memref<64x64xi32, #tpu.memory_space<hbm>>
          %dma_start3A_231 = arith.constant 0 : i32
          %dma_start3A_232 = arith.constant 0 : i32
          %dma_start3A_233 = tpu.memref_slice %arg4[%arg1, %scan3A_46, %dma_start3A_231, %dma_start3A_232] : memref<16x5x64x64xi32, #tpu.memory_space<hbm>> -> memref<1x1x64x64xi32, #tpu.memory_space<hbm>>
          %dma_start3A_234 = tpu.memref_squeeze %dma_start3A_233 : memref<1x1x64x64xi32, #tpu.memory_space<hbm>> -> memref<64x64xi32, #tpu.memory_space<hbm>>
          tpu.enqueue_dma source(%dma_start3A_234 : memref<64x64xi32, #tpu.memory_space<hbm>>) target(%arg8 : memref<64x64xi32, #tpu.memory_space<vmem>>) target_semaphore(%run_scoped3A : memref<!tpu.dma_semaphore, #tpu.memory_space<semaphore_mem>>)
          %dma_wait3A_235 = arith.constant 0 : i32
          %dma_wait3A_236 = arith.constant 0 : i32
          %dma_wait3A_237 = tpu.memref_slice %arg4[%arg1, %scan3A_46, %dma_wait3A_235, %dma_wait3A_236] : memref<16x5x64x64xi32, #tpu.memory_space<hbm>> -> memref<1x1x64x64xi32, #tpu.memory_space<hbm>>
          %dma_wait3A_238 = tpu.memref_squeeze %dma_wait3A_237 : memref<1x1x64x64xi32, #tpu.memory_space<hbm>> -> memref<64x64xi32, #tpu.memory_space<hbm>>
          %dma_wait3A_239 = arith.constant 0 : i32
          %dma_wait3A_240 = arith.constant 0 : i32
          %dma_wait3A_241 = tpu.memref_slice %arg4[%arg1, %scan3A_46, %dma_wait3A_239, %dma_wait3A_240] : memref<16x5x64x64xi32, #tpu.memory_space<hbm>> -> memref<1x1x64x64xi32, #tpu.memory_space<hbm>>
          %dma_wait3A_242 = tpu.memref_squeeze %dma_wait3A_241 : memref<1x1x64x64xi32, #tpu.memory_space<hbm>> -> memref<64x64xi32, #tpu.memory_space<hbm>>
          tpu.wait_dma2 semaphore(%run_scoped3A : memref<!tpu.dma_semaphore, #tpu.memory_space<semaphore_mem>>) src(%dma_wait3A_242 : memref<64x64xi32, #tpu.memory_space<hbm>>) dst(%arg8 : memref<64x64xi32, #tpu.memory_space<vmem>>)
          tpu.yield
        }) : () -> ()
        "tpu.region"() ({
          %run_scoped3A = tpu.sem_alloc : memref<!tpu.dma_semaphore, #tpu.memory_space<semaphore_mem>>
          %dma_start3A_227 = arith.constant 0 : i32
          %dma_start3A_228 = arith.constant 0 : i32
          %dma_start3A_229 = tpu.memref_slice %arg5[%arg1, %scan3A_46, %dma_start3A_227, %dma_start3A_228] : memref<16x5x64x64xi32, #tpu.memory_space<hbm>> -> memref<1x1x64x64xi32, #tpu.memory_space<hbm>>
          %dma_start3A_230 = tpu.memref_squeeze %dma_start3A_229 : memref<1x1x64x64xi32, #tpu.memory_space<hbm>> -> memref<64x64xi32, #tpu.memory_space<hbm>>
          %dma_start3A_231 = arith.constant 0 : i32
          %dma_start3A_232 = arith.constant 0 : i32
          %dma_start3A_233 = tpu.memref_slice %arg5[%arg1, %scan3A_46, %dma_start3A_231, %dma_start3A_232] : memref<16x5x64x64xi32, #tpu.memory_space<hbm>> -> memref<1x1x64x64xi32, #tpu.memory_space<hbm>>
          %dma_start3A_234 = tpu.memref_squeeze %dma_start3A_233 : memref<1x1x64x64xi32, #tpu.memory_space<hbm>> -> memref<64x64xi32, #tpu.memory_space<hbm>>
          tpu.enqueue_dma source(%dma_start3A_234 : memref<64x64xi32, #tpu.memory_space<hbm>>) target(%arg9 : memref<64x64xi32, #tpu.memory_space<vmem>>) target_semaphore(%run_scoped3A : memref<!tpu.dma_semaphore, #tpu.memory_space<semaphore_mem>>)
          %dma_wait3A_235 = arith.constant 0 : i32
          %dma_wait3A_236 = arith.constant 0 : i32
          %dma_wait3A_237 = tpu.memref_slice %arg5[%arg1, %scan3A_46, %dma_wait3A_235, %dma_wait3A_236] : memref<16x5x64x64xi32, #tpu.memory_space<hbm>> -> memref<1x1x64x64xi32, #tpu.memory_space<hbm>>
          %dma_wait3A_238 = tpu.memref_squeeze %dma_wait3A_237 : memref<1x1x64x64xi32, #tpu.memory_space<hbm>> -> memref<64x64xi32, #tpu.memory_space<hbm>>
          %dma_wait3A_239 = arith.constant 0 : i32
          %dma_wait3A_240 = arith.constant 0 : i32
          %dma_wait3A_241 = tpu.memref_slice %arg5[%arg1, %scan3A_46, %dma_wait3A_239, %dma_wait3A_240] : memref<16x5x64x64xi32, #tpu.memory_space<hbm>> -> memref<1x1x64x64xi32, #tpu.memory_space<hbm>>
          %dma_wait3A_242 = tpu.memref_squeeze %dma_wait3A_241 : memref<1x1x64x64xi32, #tpu.memory_space<hbm>> -> memref<64x64xi32, #tpu.memory_space<hbm>>
          tpu.wait_dma2 semaphore(%run_scoped3A : memref<!tpu.dma_semaphore, #tpu.memory_space<semaphore_mem>>) src(%dma_wait3A_242 : memref<64x64xi32, #tpu.memory_space<hbm>>) dst(%arg9 : memref<64x64xi32, #tpu.memory_space<vmem>>)
          tpu.yield
        }) : () -> ()
        %dma_start3A = arith.constant 0 : i32
        %dma_start3A_47 = arith.constant 0 : i32
        %dma_start3A_48 = arith.constant 0 : i32
        %dma_start3A_49 = tpu.memref_slice %arg10[%cond3A, %dma_start3A_47, %dma_start3A_48] : memref<4x64x128xf32, #tpu.memory_space<vmem>> -> memref<1x64x128xf32, #tpu.memory_space<vmem>>
        %dma_start3A_50 = tpu.memref_squeeze %dma_start3A_49 : memref<1x64x128xf32, #tpu.memory_space<vmem>> -> memref<64x128xf32, #tpu.memory_space<vmem>>
        %dma_start3A_51 = arith.constant 0 : i32
        %dma_start3A_52 = tpu.memref_slice %arg8[%dma_start3A, %dma_start3A_51] : memref<64x64xi32, #tpu.memory_space<vmem>> -> memref<1x64xi32, #tpu.memory_space<vmem>>
        %dma_start3A_53 = tpu.memref_squeeze %dma_start3A_52 : memref<1x64xi32, #tpu.memory_space<vmem>> -> memref<64xi32, #tpu.memory_space<vmem>>
        %dma_start3A_54 = arith.constant 0 : i32
        %dma_start3A_55 = arith.constant 0 : i32
        %dma_start3A_56 = tpu.memref_slice %arg2[%dma_start3A_54, %dma_start3A_55] : memref<10000x128xf32, #tpu.memory_space<hbm>> -> memref<10000x128xf32, #tpu.memory_space<hbm>>
        tpu.enqueue_indirect_dma source(%dma_start3A_56 : memref<10000x128xf32, #tpu.memory_space<hbm>>) target(%dma_start3A_50 : memref<64x128xf32, #tpu.memory_space<vmem>>) offsets(%dma_start3A_53 : memref<64xi32, #tpu.memory_space<vmem>>) semaphore(%arg12 : memref<!tpu.dma_semaphore, #tpu.memory_space<semaphore_mem>>)
        %dma_start3A_57 = arith.constant 1 : i32
        %dma_start3A_58 = arith.constant 0 : i32
        %dma_start3A_59 = arith.constant 0 : i32
        %dma_start3A_60 = tpu.memref_slice %arg10[%cond3A_14, %dma_start3A_58, %dma_start3A_59] : memref<4x64x128xf32, #tpu.memory_space<vmem>> -> memref<1x64x128xf32, #tpu.memory_space<vmem>>
        %dma_start3A_61 = tpu.memref_squeeze %dma_start3A_60 : memref<1x64x128xf32, #tpu.memory_space<vmem>> -> memref<64x128xf32, #tpu.memory_space<vmem>>
        %dma_start3A_62 = arith.constant 0 : i32
        %dma_start3A_63 = tpu.memref_slice %arg8[%dma_start3A_57, %dma_start3A_62] : memref<64x64xi32, #tpu.memory_space<vmem>> -> memref<1x64xi32, #tpu.memory_space<vmem>>
        %dma_start3A_64 = tpu.memref_squeeze %dma_start3A_63 : memref<1x64xi32, #tpu.memory_space<vmem>> -> memref<64xi32, #tpu.memory_space<vmem>>
        %dma_start3A_65 = arith.constant 0 : i32
        %dma_start3A_66 = arith.constant 0 : i32
        %dma_start3A_67 = tpu.memref_slice %arg2[%dma_start3A_65, %dma_start3A_66] : memref<10000x128xf32, #tpu.memory_space<hbm>> -> memref<10000x128xf32, #tpu.memory_space<hbm>>
        tpu.enqueue_indirect_dma source(%dma_start3A_67 : memref<10000x128xf32, #tpu.memory_space<hbm>>) target(%dma_start3A_61 : memref<64x128xf32, #tpu.memory_space<vmem>>) offsets(%dma_start3A_64 : memref<64xi32, #tpu.memory_space<vmem>>) semaphore(%arg13 : memref<!tpu.dma_semaphore, #tpu.memory_space<semaphore_mem>>)
        %dma_start3A_68 = arith.constant 2 : i32
        %dma_start3A_69 = arith.constant 0 : i32
        %dma_start3A_70 = arith.constant 0 : i32
        %dma_start3A_71 = tpu.memref_slice %arg10[%cond3A_15, %dma_start3A_69, %dma_start3A_70] : memref<4x64x128xf32, #tpu.memory_space<vmem>> -> memref<1x64x128xf32, #tpu.memory_space<vmem>>
        %dma_start3A_72 = tpu.memref_squeeze %dma_start3A_71 : memref<1x64x128xf32, #tpu.memory_space<vmem>> -> memref<64x128xf32, #tpu.memory_space<vmem>>
        %dma_start3A_73 = arith.constant 0 : i32
        %dma_start3A_74 = tpu.memref_slice %arg8[%dma_start3A_68, %dma_start3A_73] : memref<64x64xi32, #tpu.memory_space<vmem>> -> memref<1x64xi32, #tpu.memory_space<vmem>>
        %dma_start3A_75 = tpu.memref_squeeze %dma_start3A_74 : memref<1x64xi32, #tpu.memory_space<vmem>> -> memref<64xi32, #tpu.memory_space<vmem>>
        %dma_start3A_76 = arith.constant 0 : i32
        %dma_start3A_77 = arith.constant 0 : i32
        %dma_start3A_78 = tpu.memref_slice %arg2[%dma_start3A_76, %dma_start3A_77] : memref<10000x128xf32, #tpu.memory_space<hbm>> -> memref<10000x128xf32, #tpu.memory_space<hbm>>
        tpu.enqueue_indirect_dma source(%dma_start3A_78 : memref<10000x128xf32, #tpu.memory_space<hbm>>) target(%dma_start3A_72 : memref<64x128xf32, #tpu.memory_space<vmem>>) offsets(%dma_start3A_75 : memref<64xi32, #tpu.memory_space<vmem>>) semaphore(%arg14 : memref<!tpu.dma_semaphore, #tpu.memory_space<semaphore_mem>>)
        %dma_wait3A = arith.constant 0 : i32
        %dma_wait3A_79 = arith.constant 0 : i32
        %dma_wait3A_80 = arith.constant 0 : i32
        %dma_wait3A_81 = tpu.memref_slice %arg10[%cond3A, %dma_wait3A_79, %dma_wait3A_80] : memref<4x64x128xf32, #tpu.memory_space<vmem>> -> memref<1x64x128xf32, #tpu.memory_space<vmem>>
        %dma_wait3A_82 = tpu.memref_squeeze %dma_wait3A_81 : memref<1x64x128xf32, #tpu.memory_space<vmem>> -> memref<64x128xf32, #tpu.memory_space<vmem>>
        %dma_wait3A_83 = arith.constant 0 : i32
        %dma_wait3A_84 = tpu.memref_slice %arg8[%dma_wait3A, %dma_wait3A_83] : memref<64x64xi32, #tpu.memory_space<vmem>> -> memref<1x64xi32, #tpu.memory_space<vmem>>
        %dma_wait3A_85 = tpu.memref_squeeze %dma_wait3A_84 : memref<1x64xi32, #tpu.memory_space<vmem>> -> memref<64xi32, #tpu.memory_space<vmem>>
        %dma_wait3A_86 = arith.constant 0 : i32
        %dma_wait3A_87 = arith.constant 0 : i32
        %dma_wait3A_88 = tpu.memref_slice %arg2[%dma_wait3A_86, %dma_wait3A_87] : memref<10000x128xf32, #tpu.memory_space<hbm>> -> memref<10000x128xf32, #tpu.memory_space<hbm>>
        tpu.wait_indirect_dma semaphore(%arg12 : memref<!tpu.dma_semaphore, #tpu.memory_space<semaphore_mem>>) src(%dma_wait3A_88 : memref<10000x128xf32, #tpu.memory_space<hbm>>) dst(%dma_wait3A_82 : memref<64x128xf32, #tpu.memory_space<vmem>>)
        %dma_start3A_89 = arith.constant 0 : i32
        %dma_start3A_90 = arith.constant 0 : i32
        %dma_start3A_91 = arith.constant 0 : i32
        %dma_start3A_92 = tpu.memref_slice %arg10[%cond3A, %dma_start3A_90, %dma_start3A_91] : memref<4x64x128xf32, #tpu.memory_space<vmem>> -> memref<1x64x128xf32, #tpu.memory_space<vmem>>
        %dma_start3A_93 = tpu.memref_squeeze %dma_start3A_92 : memref<1x64x128xf32, #tpu.memory_space<vmem>> -> memref<64x128xf32, #tpu.memory_space<vmem>>
        %dma_start3A_94 = arith.constant 0 : i32
        %dma_start3A_95 = tpu.memref_slice %arg9[%dma_start3A_89, %dma_start3A_94] : memref<64x64xi32, #tpu.memory_space<vmem>> -> memref<1x64xi32, #tpu.memory_space<vmem>>
        %dma_start3A_96 = tpu.memref_squeeze %dma_start3A_95 : memref<1x64xi32, #tpu.memory_space<vmem>> -> memref<64xi32, #tpu.memory_space<vmem>>
        %dma_start3A_97 = arith.constant 0 : i32
        %dma_start3A_98 = arith.constant 0 : i32
        %dma_start3A_99 = tpu.memref_slice %arg11[%dma_start3A_97, %dma_start3A_98] : memref<10240x128xf32, #tpu.memory_space<vmem_shared>> -> memref<10240x128xf32, #tpu.memory_space<vmem_shared>>
        tpu.enqueue_indirect_dma source(%dma_start3A_93 : memref<64x128xf32, #tpu.memory_space<vmem>>) target(%dma_start3A_99 : memref<10240x128xf32, #tpu.memory_space<vmem_shared>>) offsets(%dma_start3A_96 : memref<64xi32, #tpu.memory_space<vmem>>) semaphore(%arg16 : memref<!tpu.dma_semaphore, #tpu.memory_space<semaphore_mem>>) {add = true}
        %dma_start3A_100 = arith.constant 3 : i32
        %dma_start3A_101 = arith.constant 0 : i32
        %dma_start3A_102 = arith.constant 0 : i32
        %dma_start3A_103 = tpu.memref_slice %arg10[%cond3A_16, %dma_start3A_101, %dma_start3A_102] : memref<4x64x128xf32, #tpu.memory_space<vmem>> -> memref<1x64x128xf32, #tpu.memory_space<vmem>>
        %dma_start3A_104 = tpu.memref_squeeze %dma_start3A_103 : memref<1x64x128xf32, #tpu.memory_space<vmem>> -> memref<64x128xf32, #tpu.memory_space<vmem>>
        %dma_start3A_105 = arith.constant 0 : i32
        %dma_start3A_106 = tpu.memref_slice %arg8[%dma_start3A_100, %dma_start3A_105] : memref<64x64xi32, #tpu.memory_space<vmem>> -> memref<1x64xi32, #tpu.memory_space<vmem>>
        %dma_start3A_107 = tpu.memref_squeeze %dma_start3A_106 : memref<1x64xi32, #tpu.memory_space<vmem>> -> memref<64xi32, #tpu.memory_space<vmem>>
        %dma_start3A_108 = arith.constant 0 : i32
        %dma_start3A_109 = arith.constant 0 : i32
        %dma_start3A_110 = tpu.memref_slice %arg2[%dma_start3A_108, %dma_start3A_109] : memref<10000x128xf32, #tpu.memory_space<hbm>> -> memref<10000x128xf32, #tpu.memory_space<hbm>>
        tpu.enqueue_indirect_dma source(%dma_start3A_110 : memref<10000x128xf32, #tpu.memory_space<hbm>>) target(%dma_start3A_104 : memref<64x128xf32, #tpu.memory_space<vmem>>) offsets(%dma_start3A_107 : memref<64xi32, #tpu.memory_space<vmem>>) semaphore(%arg15 : memref<!tpu.dma_semaphore, #tpu.memory_space<semaphore_mem>>)
        %dma_wait3A_111 = arith.constant 0 : i32
        %dma_wait3A_112 = arith.constant 0 : i32
        %dma_wait3A_113 = arith.constant 0 : i32
        %dma_wait3A_114 = tpu.memref_slice %arg10[%cond3A_14, %dma_wait3A_112, %dma_wait3A_113] : memref<4x64x128xf32, #tpu.memory_space<vmem>> -> memref<1x64x128xf32, #tpu.memory_space<vmem>>
        %dma_wait3A_115 = tpu.memref_squeeze %dma_wait3A_114 : memref<1x64x128xf32, #tpu.memory_space<vmem>> -> memref<64x128xf32, #tpu.memory_space<vmem>>
        %dma_wait3A_116 = arith.constant 0 : i32
        %dma_wait3A_117 = tpu.memref_slice %arg8[%dma_wait3A_111, %dma_wait3A_116] : memref<64x64xi32, #tpu.memory_space<vmem>> -> memref<1x64xi32, #tpu.memory_space<vmem>>
        %dma_wait3A_118 = tpu.memref_squeeze %dma_wait3A_117 : memref<1x64xi32, #tpu.memory_space<vmem>> -> memref<64xi32, #tpu.memory_space<vmem>>
        %dma_wait3A_119 = arith.constant 0 : i32
        %dma_wait3A_120 = arith.constant 0 : i32
        %dma_wait3A_121 = tpu.memref_slice %arg2[%dma_wait3A_119, %dma_wait3A_120] : memref<10000x128xf32, #tpu.memory_space<hbm>> -> memref<10000x128xf32, #tpu.memory_space<hbm>>
        tpu.wait_indirect_dma semaphore(%arg13 : memref<!tpu.dma_semaphore, #tpu.memory_space<semaphore_mem>>) src(%dma_wait3A_121 : memref<10000x128xf32, #tpu.memory_space<hbm>>) dst(%dma_wait3A_115 : memref<64x128xf32, #tpu.memory_space<vmem>>)
        %dma_start3A_122 = arith.constant 1 : i32
        %dma_start3A_123 = arith.constant 0 : i32
        %dma_start3A_124 = arith.constant 0 : i32
        %dma_start3A_125 = tpu.memref_slice %arg10[%cond3A_14, %dma_start3A_123, %dma_start3A_124] : memref<4x64x128xf32, #tpu.memory_space<vmem>> -> memref<1x64x128xf32, #tpu.memory_space<vmem>>
        %dma_start3A_126 = tpu.memref_squeeze %dma_start3A_125 : memref<1x64x128xf32, #tpu.memory_space<vmem>> -> memref<64x128xf32, #tpu.memory_space<vmem>>
        %dma_start3A_127 = arith.constant 0 : i32
        %dma_start3A_128 = tpu.memref_slice %arg9[%dma_start3A_122, %dma_start3A_127] : memref<64x64xi32, #tpu.memory_space<vmem>> -> memref<1x64xi32, #tpu.memory_space<vmem>>
        %dma_start3A_129 = tpu.memref_squeeze %dma_start3A_128 : memref<1x64xi32, #tpu.memory_space<vmem>> -> memref<64xi32, #tpu.memory_space<vmem>>
        %dma_start3A_130 = arith.constant 0 : i32
        %dma_start3A_131 = arith.constant 0 : i32
        %dma_start3A_132 = tpu.memref_slice %arg11[%dma_start3A_130, %dma_start3A_131] : memref<10240x128xf32, #tpu.memory_space<vmem_shared>> -> memref<10240x128xf32, #tpu.memory_space<vmem_shared>>
        tpu.enqueue_indirect_dma source(%dma_start3A_126 : memref<64x128xf32, #tpu.memory_space<vmem>>) target(%dma_start3A_132 : memref<10240x128xf32, #tpu.memory_space<vmem_shared>>) offsets(%dma_start3A_129 : memref<64xi32, #tpu.memory_space<vmem>>) semaphore(%arg17 : memref<!tpu.dma_semaphore, #tpu.memory_space<semaphore_mem>>) {add = true}
        %scan3A_133 = arith.constant 0 : i32
        %scan3A_134 = arith.constant 0 : i32
        %scan3A_135 = arith.constant 15 : i32
        %scan3A_136 = arith.addi %scan3A_134, %scan3A_135 : i32
        %scan3A_137 = arith.constant 1 : i32
        scf.for %scan3A_227 = %scan3A_134 to %scan3A_136 step %scan3A_137  : i32 {
          %mul3A_228 = arith.constant 4 : i32
          %mul3A_229 = arith.muli %mul3A_228, %scan3A_227 : i32
          %add3A = arith.constant 2 : i32
          %add3A_230 = arith.addi %mul3A_229, %add3A : i32
          %add3A_231 = arith.constant 0 : i32
          %add3A_232 = arith.addi %add3A_230, %add3A_231 : i32
          %dma_wait3A_233 = arith.constant 0 : i32
          %dma_wait3A_234 = arith.constant 0 : i32
          %dma_wait3A_235 = arith.constant 0 : i32
          %dma_wait3A_236 = tpu.memref_slice %arg10[%cond3A, %dma_wait3A_234, %dma_wait3A_235] : memref<4x64x128xf32, #tpu.memory_space<vmem>> -> memref<1x64x128xf32, #tpu.memory_space<vmem>>
          %dma_wait3A_237 = tpu.memref_squeeze %dma_wait3A_236 : memref<1x64x128xf32, #tpu.memory_space<vmem>> -> memref<64x128xf32, #tpu.memory_space<vmem>>
          %dma_wait3A_238 = arith.constant 0 : i32
          %dma_wait3A_239 = tpu.memref_slice %arg9[%dma_wait3A_233, %dma_wait3A_238] : memref<64x64xi32, #tpu.memory_space<vmem>> -> memref<1x64xi32, #tpu.memory_space<vmem>>
          %dma_wait3A_240 = tpu.memref_squeeze %dma_wait3A_239 : memref<1x64xi32, #tpu.memory_space<vmem>> -> memref<64xi32, #tpu.memory_space<vmem>>
          %dma_wait3A_241 = arith.constant 0 : i32
          %dma_wait3A_242 = arith.constant 0 : i32
          %dma_wait3A_243 = tpu.memref_slice %arg11[%dma_wait3A_241, %dma_wait3A_242] : memref<10240x128xf32, #tpu.memory_space<vmem_shared>> -> memref<10240x128xf32, #tpu.memory_space<vmem_shared>>
          tpu.wait_indirect_dma semaphore(%arg16 : memref<!tpu.dma_semaphore, #tpu.memory_space<semaphore_mem>>) src(%dma_wait3A_237 : memref<64x128xf32, #tpu.memory_space<vmem>>) dst(%dma_wait3A_243 : memref<10240x128xf32, #tpu.memory_space<vmem_shared>>)
          %add3A_244 = arith.constant 2 : i32
          %add3A_245 = arith.addi %add3A_232, %add3A_244 : i32
          %dma_start3A_246 = arith.constant 0 : i32
          %dma_start3A_247 = arith.constant 0 : i32
          %dma_start3A_248 = tpu.memref_slice %arg10[%cond3A, %dma_start3A_246, %dma_start3A_247] : memref<4x64x128xf32, #tpu.memory_space<vmem>> -> memref<1x64x128xf32, #tpu.memory_space<vmem>>
          %dma_start3A_249 = tpu.memref_squeeze %dma_start3A_248 : memref<1x64x128xf32, #tpu.memory_space<vmem>> -> memref<64x128xf32, #tpu.memory_space<vmem>>
          %dma_start3A_250 = arith.constant 0 : i32
          %dma_start3A_251 = tpu.memref_slice %arg8[%add3A_245, %dma_start3A_250] : memref<64x64xi32, #tpu.memory_space<vmem>> -> memref<1x64xi32, #tpu.memory_space<vmem>>
          %dma_start3A_252 = tpu.memref_squeeze %dma_start3A_251 : memref<1x64xi32, #tpu.memory_space<vmem>> -> memref<64xi32, #tpu.memory_space<vmem>>
          %dma_start3A_253 = arith.constant 0 : i32
          %dma_start3A_254 = arith.constant 0 : i32
          %dma_start3A_255 = tpu.memref_slice %arg2[%dma_start3A_253, %dma_start3A_254] : memref<10000x128xf32, #tpu.memory_space<hbm>> -> memref<10000x128xf32, #tpu.memory_space<hbm>>
          tpu.enqueue_indirect_dma source(%dma_start3A_255 : memref<10000x128xf32, #tpu.memory_space<hbm>>) target(%dma_start3A_249 : memref<64x128xf32, #tpu.memory_space<vmem>>) offsets(%dma_start3A_252 : memref<64xi32, #tpu.memory_space<vmem>>) semaphore(%arg12 : memref<!tpu.dma_semaphore, #tpu.memory_space<semaphore_mem>>)
          %dma_wait3A_256 = arith.constant 0 : i32
          %dma_wait3A_257 = arith.constant 0 : i32
          %dma_wait3A_258 = arith.constant 0 : i32
          %dma_wait3A_259 = tpu.memref_slice %arg10[%cond3A_15, %dma_wait3A_257, %dma_wait3A_258] : memref<4x64x128xf32, #tpu.memory_space<vmem>> -> memref<1x64x128xf32, #tpu.memory_space<vmem>>
          %dma_wait3A_260 = tpu.memref_squeeze %dma_wait3A_259 : memref<1x64x128xf32, #tpu.memory_space<vmem>> -> memref<64x128xf32, #tpu.memory_space<vmem>>
          %dma_wait3A_261 = arith.constant 0 : i32
          %dma_wait3A_262 = tpu.memref_slice %arg8[%dma_wait3A_256, %dma_wait3A_261] : memref<64x64xi32, #tpu.memory_space<vmem>> -> memref<1x64xi32, #tpu.memory_space<vmem>>
          %dma_wait3A_263 = tpu.memref_squeeze %dma_wait3A_262 : memref<1x64xi32, #tpu.memory_space<vmem>> -> memref<64xi32, #tpu.memory_space<vmem>>
          %dma_wait3A_264 = arith.constant 0 : i32
          %dma_wait3A_265 = arith.constant 0 : i32
          %dma_wait3A_266 = tpu.memref_slice %arg2[%dma_wait3A_264, %dma_wait3A_265] : memref<10000x128xf32, #tpu.memory_space<hbm>> -> memref<10000x128xf32, #tpu.memory_space<hbm>>
          tpu.wait_indirect_dma semaphore(%arg14 : memref<!tpu.dma_semaphore, #tpu.memory_space<semaphore_mem>>) src(%dma_wait3A_266 : memref<10000x128xf32, #tpu.memory_space<hbm>>) dst(%dma_wait3A_260 : memref<64x128xf32, #tpu.memory_space<vmem>>)
          %dma_start3A_267 = arith.constant 0 : i32
          %dma_start3A_268 = arith.constant 0 : i32
          %dma_start3A_269 = tpu.memref_slice %arg10[%cond3A_15, %dma_start3A_267, %dma_start3A_268] : memref<4x64x128xf32, #tpu.memory_space<vmem>> -> memref<1x64x128xf32, #tpu.memory_space<vmem>>
          %dma_start3A_270 = tpu.memref_squeeze %dma_start3A_269 : memref<1x64x128xf32, #tpu.memory_space<vmem>> -> memref<64x128xf32, #tpu.memory_space<vmem>>
          %dma_start3A_271 = arith.constant 0 : i32
          %dma_start3A_272 = tpu.memref_slice %arg9[%add3A_232, %dma_start3A_271] : memref<64x64xi32, #tpu.memory_space<vmem>> -> memref<1x64xi32, #tpu.memory_space<vmem>>
          %dma_start3A_273 = tpu.memref_squeeze %dma_start3A_272 : memref<1x64xi32, #tpu.memory_space<vmem>> -> memref<64xi32, #tpu.memory_space<vmem>>
          %dma_start3A_274 = arith.constant 0 : i32
          %dma_start3A_275 = arith.constant 0 : i32
          %dma_start3A_276 = tpu.memref_slice %arg11[%dma_start3A_274, %dma_start3A_275] : memref<10240x128xf32, #tpu.memory_space<vmem_shared>> -> memref<10240x128xf32, #tpu.memory_space<vmem_shared>>
          tpu.enqueue_indirect_dma source(%dma_start3A_270 : memref<64x128xf32, #tpu.memory_space<vmem>>) target(%dma_start3A_276 : memref<10240x128xf32, #tpu.memory_space<vmem_shared>>) offsets(%dma_start3A_273 : memref<64xi32, #tpu.memory_space<vmem>>) semaphore(%arg18 : memref<!tpu.dma_semaphore, #tpu.memory_space<semaphore_mem>>) {add = true}
          %add3A_277 = arith.constant 1 : i32
          %add3A_278 = arith.addi %add3A_230, %add3A_277 : i32
          %dma_wait3A_279 = arith.constant 0 : i32
          %dma_wait3A_280 = arith.constant 0 : i32
          %dma_wait3A_281 = arith.constant 0 : i32
          %dma_wait3A_282 = tpu.memref_slice %arg10[%cond3A_14, %dma_wait3A_280, %dma_wait3A_281] : memref<4x64x128xf32, #tpu.memory_space<vmem>> -> memref<1x64x128xf32, #tpu.memory_space<vmem>>
          %dma_wait3A_283 = tpu.memref_squeeze %dma_wait3A_282 : memref<1x64x128xf32, #tpu.memory_space<vmem>> -> memref<64x128xf32, #tpu.memory_space<vmem>>
          %dma_wait3A_284 = arith.constant 0 : i32
          %dma_wait3A_285 = tpu.memref_slice %arg9[%dma_wait3A_279, %dma_wait3A_284] : memref<64x64xi32, #tpu.memory_space<vmem>> -> memref<1x64xi32, #tpu.memory_space<vmem>>
          %dma_wait3A_286 = tpu.memref_squeeze %dma_wait3A_285 : memref<1x64xi32, #tpu.memory_space<vmem>> -> memref<64xi32, #tpu.memory_space<vmem>>
          %dma_wait3A_287 = arith.constant 0 : i32
          %dma_wait3A_288 = arith.constant 0 : i32
          %dma_wait3A_289 = tpu.memref_slice %arg11[%dma_wait3A_287, %dma_wait3A_288] : memref<10240x128xf32, #tpu.memory_space<vmem_shared>> -> memref<10240x128xf32, #tpu.memory_space<vmem_shared>>
          tpu.wait_indirect_dma semaphore(%arg17 : memref<!tpu.dma_semaphore, #tpu.memory_space<semaphore_mem>>) src(%dma_wait3A_283 : memref<64x128xf32, #tpu.memory_space<vmem>>) dst(%dma_wait3A_289 : memref<10240x128xf32, #tpu.memory_space<vmem_shared>>)
          %add3A_290 = arith.constant 2 : i32
          %add3A_291 = arith.addi %add3A_278, %add3A_290 : i32
          %dma_start3A_292 = arith.constant 0 : i32
          %dma_start3A_293 = arith.constant 0 : i32
          %dma_start3A_294 = tpu.memref_slice %arg10[%cond3A_14, %dma_start3A_292, %dma_start3A_293] : memref<4x64x128xf32, #tpu.memory_space<vmem>> -> memref<1x64x128xf32, #tpu.memory_space<vmem>>
          %dma_start3A_295 = tpu.memref_squeeze %dma_start3A_294 : memref<1x64x128xf32, #tpu.memory_space<vmem>> -> memref<64x128xf32, #tpu.memory_space<vmem>>
          %dma_start3A_296 = arith.constant 0 : i32
          %dma_start3A_297 = tpu.memref_slice %arg8[%add3A_291, %dma_start3A_296] : memref<64x64xi32, #tpu.memory_space<vmem>> -> memref<1x64xi32, #tpu.memory_space<vmem>>
          %dma_start3A_298 = tpu.memref_squeeze %dma_start3A_297 : memref<1x64xi32, #tpu.memory_space<vmem>> -> memref<64xi32, #tpu.memory_space<vmem>>
          %dma_start3A_299 = arith.constant 0 : i32
          %dma_start3A_300 = arith.constant 0 : i32
          %dma_start3A_301 = tpu.memref_slice %arg2[%dma_start3A_299, %dma_start3A_300] : memref<10000x128xf32, #tpu.memory_space<hbm>> -> memref<10000x128xf32, #tpu.memory_space<hbm>>
          tpu.enqueue_indirect_dma source(%dma_start3A_301 : memref<10000x128xf32, #tpu.memory_space<hbm>>) target(%dma_start3A_295 : memref<64x128xf32, #tpu.memory_space<vmem>>) offsets(%dma_start3A_298 : memref<64xi32, #tpu.memory_space<vmem>>) semaphore(%arg13 : memref<!tpu.dma_semaphore, #tpu.memory_space<semaphore_mem>>)
          %dma_wait3A_302 = arith.constant 0 : i32
          %dma_wait3A_303 = arith.constant 0 : i32
          %dma_wait3A_304 = arith.constant 0 : i32
          %dma_wait3A_305 = tpu.memref_slice %arg10[%cond3A_16, %dma_wait3A_303, %dma_wait3A_304] : memref<4x64x128xf32, #tpu.memory_space<vmem>> -> memref<1x64x128xf32, #tpu.memory_space<vmem>>
          %dma_wait3A_306 = tpu.memref_squeeze %dma_wait3A_305 : memref<1x64x128xf32, #tpu.memory_space<vmem>> -> memref<64x128xf32, #tpu.memory_space<vmem>>
          %dma_wait3A_307 = arith.constant 0 : i32
          %dma_wait3A_308 = tpu.memref_slice %arg8[%dma_wait3A_302, %dma_wait3A_307] : memref<64x64xi32, #tpu.memory_space<vmem>> -> memref<1x64xi32, #tpu.memory_space<vmem>>
          %dma_wait3A_309 = tpu.memref_squeeze %dma_wait3A_308 : memref<1x64xi32, #tpu.memory_space<vmem>> -> memref<64xi32, #tpu.memory_space<vmem>>
          %dma_wait3A_310 = arith.constant 0 : i32
          %dma_wait3A_311 = arith.constant 0 : i32
          %dma_wait3A_312 = tpu.memref_slice %arg2[%dma_wait3A_310, %dma_wait3A_311] : memref<10000x128xf32, #tpu.memory_space<hbm>> -> memref<10000x128xf32, #tpu.memory_space<hbm>>
          tpu.wait_indirect_dma semaphore(%arg15 : memref<!tpu.dma_semaphore, #tpu.memory_space<semaphore_mem>>) src(%dma_wait3A_312 : memref<10000x128xf32, #tpu.memory_space<hbm>>) dst(%dma_wait3A_306 : memref<64x128xf32, #tpu.memory_space<vmem>>)
          %dma_start3A_313 = arith.constant 0 : i32
          %dma_start3A_314 = arith.constant 0 : i32
          %dma_start3A_315 = tpu.memref_slice %arg10[%cond3A_16, %dma_start3A_313, %dma_start3A_314] : memref<4x64x128xf32, #tpu.memory_space<vmem>> -> memref<1x64x128xf32, #tpu.memory_space<vmem>>
          %dma_start3A_316 = tpu.memref_squeeze %dma_start3A_315 : memref<1x64x128xf32, #tpu.memory_space<vmem>> -> memref<64x128xf32, #tpu.memory_space<vmem>>
          %dma_start3A_317 = arith.constant 0 : i32
          %dma_start3A_318 = tpu.memref_slice %arg9[%add3A_278, %dma_start3A_317] : memref<64x64xi32, #tpu.memory_space<vmem>> -> memref<1x64xi32, #tpu.memory_space<vmem>>
          %dma_start3A_319 = tpu.memref_squeeze %dma_start3A_318 : memref<1x64xi32, #tpu.memory_space<vmem>> -> memref<64xi32, #tpu.memory_space<vmem>>
          %dma_start3A_320 = arith.constant 0 : i32
          %dma_start3A_321 = arith.constant 0 : i32
          %dma_start3A_322 = tpu.memref_slice %arg11[%dma_start3A_320, %dma_start3A_321] : memref<10240x128xf32, #tpu.memory_space<vmem_shared>> -> memref<10240x128xf32, #tpu.memory_space<vmem_shared>>
          tpu.enqueue_indirect_dma source(%dma_start3A_316 : memref<64x128xf32, #tpu.memory_space<vmem>>) target(%dma_start3A_322 : memref<10240x128xf32, #tpu.memory_space<vmem_shared>>) offsets(%dma_start3A_319 : memref<64xi32, #tpu.memory_space<vmem>>) semaphore(%arg19 : memref<!tpu.dma_semaphore, #tpu.memory_space<semaphore_mem>>) {add = true}
          %add3A_323 = arith.constant 2 : i32
          %add3A_324 = arith.addi %add3A_230, %add3A_323 : i32
          %dma_wait3A_325 = arith.constant 0 : i32
          %dma_wait3A_326 = arith.constant 0 : i32
          %dma_wait3A_327 = arith.constant 0 : i32
          %dma_wait3A_328 = tpu.memref_slice %arg10[%cond3A_15, %dma_wait3A_326, %dma_wait3A_327] : memref<4x64x128xf32, #tpu.memory_space<vmem>> -> memref<1x64x128xf32, #tpu.memory_space<vmem>>
          %dma_wait3A_329 = tpu.memref_squeeze %dma_wait3A_328 : memref<1x64x128xf32, #tpu.memory_space<vmem>> -> memref<64x128xf32, #tpu.memory_space<vmem>>
          %dma_wait3A_330 = arith.constant 0 : i32
          %dma_wait3A_331 = tpu.memref_slice %arg9[%dma_wait3A_325, %dma_wait3A_330] : memref<64x64xi32, #tpu.memory_space<vmem>> -> memref<1x64xi32, #tpu.memory_space<vmem>>
          %dma_wait3A_332 = tpu.memref_squeeze %dma_wait3A_331 : memref<1x64xi32, #tpu.memory_space<vmem>> -> memref<64xi32, #tpu.memory_space<vmem>>
          %dma_wait3A_333 = arith.constant 0 : i32
          %dma_wait3A_334 = arith.constant 0 : i32
          %dma_wait3A_335 = tpu.memref_slice %arg11[%dma_wait3A_333, %dma_wait3A_334] : memref<10240x128xf32, #tpu.memory_space<vmem_shared>> -> memref<10240x128xf32, #tpu.memory_space<vmem_shared>>
          tpu.wait_indirect_dma semaphore(%arg18 : memref<!tpu.dma_semaphore, #tpu.memory_space<semaphore_mem>>) src(%dma_wait3A_329 : memref<64x128xf32, #tpu.memory_space<vmem>>) dst(%dma_wait3A_335 : memref<10240x128xf32, #tpu.memory_space<vmem_shared>>)
          %add3A_336 = arith.constant 2 : i32
          %add3A_337 = arith.addi %add3A_324, %add3A_336 : i32
          %dma_start3A_338 = arith.constant 0 : i32
          %dma_start3A_339 = arith.constant 0 : i32
          %dma_start3A_340 = tpu.memref_slice %arg10[%cond3A_15, %dma_start3A_338, %dma_start3A_339] : memref<4x64x128xf32, #tpu.memory_space<vmem>> -> memref<1x64x128xf32, #tpu.memory_space<vmem>>
          %dma_start3A_341 = tpu.memref_squeeze %dma_start3A_340 : memref<1x64x128xf32, #tpu.memory_space<vmem>> -> memref<64x128xf32, #tpu.memory_space<vmem>>
          %dma_start3A_342 = arith.constant 0 : i32
          %dma_start3A_343 = tpu.memref_slice %arg8[%add3A_337, %dma_start3A_342] : memref<64x64xi32, #tpu.memory_space<vmem>> -> memref<1x64xi32, #tpu.memory_space<vmem>>
          %dma_start3A_344 = tpu.memref_squeeze %dma_start3A_343 : memref<1x64xi32, #tpu.memory_space<vmem>> -> memref<64xi32, #tpu.memory_space<vmem>>
          %dma_start3A_345 = arith.constant 0 : i32
          %dma_start3A_346 = arith.constant 0 : i32
          %dma_start3A_347 = tpu.memref_slice %arg2[%dma_start3A_345, %dma_start3A_346] : memref<10000x128xf32, #tpu.memory_space<hbm>> -> memref<10000x128xf32, #tpu.memory_space<hbm>>
          tpu.enqueue_indirect_dma source(%dma_start3A_347 : memref<10000x128xf32, #tpu.memory_space<hbm>>) target(%dma_start3A_341 : memref<64x128xf32, #tpu.memory_space<vmem>>) offsets(%dma_start3A_344 : memref<64xi32, #tpu.memory_space<vmem>>) semaphore(%arg14 : memref<!tpu.dma_semaphore, #tpu.memory_space<semaphore_mem>>)
          %dma_wait3A_348 = arith.constant 0 : i32
          %dma_wait3A_349 = arith.constant 0 : i32
          %dma_wait3A_350 = arith.constant 0 : i32
          %dma_wait3A_351 = tpu.memref_slice %arg10[%cond3A, %dma_wait3A_349, %dma_wait3A_350] : memref<4x64x128xf32, #tpu.memory_space<vmem>> -> memref<1x64x128xf32, #tpu.memory_space<vmem>>
          %dma_wait3A_352 = tpu.memref_squeeze %dma_wait3A_351 : memref<1x64x128xf32, #tpu.memory_space<vmem>> -> memref<64x128xf32, #tpu.memory_space<vmem>>
          %dma_wait3A_353 = arith.constant 0 : i32
          %dma_wait3A_354 = tpu.memref_slice %arg8[%dma_wait3A_348, %dma_wait3A_353] : memref<64x64xi32, #tpu.memory_space<vmem>> -> memref<1x64xi32, #tpu.memory_space<vmem>>
          %dma_wait3A_355 = tpu.memref_squeeze %dma_wait3A_354 : memref<1x64xi32, #tpu.memory_space<vmem>> -> memref<64xi32, #tpu.memory_space<vmem>>
          %dma_wait3A_356 = arith.constant 0 : i32
          %dma_wait3A_357 = arith.constant 0 : i32
          %dma_wait3A_358 = tpu.memref_slice %arg2[%dma_wait3A_356, %dma_wait3A_357] : memref<10000x128xf32, #tpu.memory_space<hbm>> -> memref<10000x128xf32, #tpu.memory_space<hbm>>
          tpu.wait_indirect_dma semaphore(%arg12 : memref<!tpu.dma_semaphore, #tpu.memory_space<semaphore_mem>>) src(%dma_wait3A_358 : memref<10000x128xf32, #tpu.memory_space<hbm>>) dst(%dma_wait3A_352 : memref<64x128xf32, #tpu.memory_space<vmem>>)
          %dma_start3A_359 = arith.constant 0 : i32
          %dma_start3A_360 = arith.constant 0 : i32
          %dma_start3A_361 = tpu.memref_slice %arg10[%cond3A, %dma_start3A_359, %dma_start3A_360] : memref<4x64x128xf32, #tpu.memory_space<vmem>> -> memref<1x64x128xf32, #tpu.memory_space<vmem>>
          %dma_start3A_362 = tpu.memref_squeeze %dma_start3A_361 : memref<1x64x128xf32, #tpu.memory_space<vmem>> -> memref<64x128xf32, #tpu.memory_space<vmem>>
          %dma_start3A_363 = arith.constant 0 : i32
          %dma_start3A_364 = tpu.memref_slice %arg9[%add3A_324, %dma_start3A_363] : memref<64x64xi32, #tpu.memory_space<vmem>> -> memref<1x64xi32, #tpu.memory_space<vmem>>
          %dma_start3A_365 = tpu.memref_squeeze %dma_start3A_364 : memref<1x64xi32, #tpu.memory_space<vmem>> -> memref<64xi32, #tpu.memory_space<vmem>>
          %dma_start3A_366 = arith.constant 0 : i32
          %dma_start3A_367 = arith.constant 0 : i32
          %dma_start3A_368 = tpu.memref_slice %arg11[%dma_start3A_366, %dma_start3A_367] : memref<10240x128xf32, #tpu.memory_space<vmem_shared>> -> memref<10240x128xf32, #tpu.memory_space<vmem_shared>>
          tpu.enqueue_indirect_dma source(%dma_start3A_362 : memref<64x128xf32, #tpu.memory_space<vmem>>) target(%dma_start3A_368 : memref<10240x128xf32, #tpu.memory_space<vmem_shared>>) offsets(%dma_start3A_365 : memref<64xi32, #tpu.memory_space<vmem>>) semaphore(%arg16 : memref<!tpu.dma_semaphore, #tpu.memory_space<semaphore_mem>>) {add = true}
          %add3A_369 = arith.constant 3 : i32
          %add3A_370 = arith.addi %add3A_230, %add3A_369 : i32
          %dma_wait3A_371 = arith.constant 0 : i32
          %dma_wait3A_372 = arith.constant 0 : i32
          %dma_wait3A_373 = arith.constant 0 : i32
          %dma_wait3A_374 = tpu.memref_slice %arg10[%cond3A_16, %dma_wait3A_372, %dma_wait3A_373] : memref<4x64x128xf32, #tpu.memory_space<vmem>> -> memref<1x64x128xf32, #tpu.memory_space<vmem>>
          %dma_wait3A_375 = tpu.memref_squeeze %dma_wait3A_374 : memref<1x64x128xf32, #tpu.memory_space<vmem>> -> memref<64x128xf32, #tpu.memory_space<vmem>>
          %dma_wait3A_376 = arith.constant 0 : i32
          %dma_wait3A_377 = tpu.memref_slice %arg9[%dma_wait3A_371, %dma_wait3A_376] : memref<64x64xi32, #tpu.memory_space<vmem>> -> memref<1x64xi32, #tpu.memory_space<vmem>>
          %dma_wait3A_378 = tpu.memref_squeeze %dma_wait3A_377 : memref<1x64xi32, #tpu.memory_space<vmem>> -> memref<64xi32, #tpu.memory_space<vmem>>
          %dma_wait3A_379 = arith.constant 0 : i32
          %dma_wait3A_380 = arith.constant 0 : i32
          %dma_wait3A_381 = tpu.memref_slice %arg11[%dma_wait3A_379, %dma_wait3A_380] : memref<10240x128xf32, #tpu.memory_space<vmem_shared>> -> memref<10240x128xf32, #tpu.memory_space<vmem_shared>>
          tpu.wait_indirect_dma semaphore(%arg19 : memref<!tpu.dma_semaphore, #tpu.memory_space<semaphore_mem>>) src(%dma_wait3A_375 : memref<64x128xf32, #tpu.memory_space<vmem>>) dst(%dma_wait3A_381 : memref<10240x128xf32, #tpu.memory_space<vmem_shared>>)
          %add3A_382 = arith.constant 2 : i32
          %add3A_383 = arith.addi %add3A_370, %add3A_382 : i32
          %dma_start3A_384 = arith.constant 0 : i32
          %dma_start3A_385 = arith.constant 0 : i32
          %dma_start3A_386 = tpu.memref_slice %arg10[%cond3A_16, %dma_start3A_384, %dma_start3A_385] : memref<4x64x128xf32, #tpu.memory_space<vmem>> -> memref<1x64x128xf32, #tpu.memory_space<vmem>>
          %dma_start3A_387 = tpu.memref_squeeze %dma_start3A_386 : memref<1x64x128xf32, #tpu.memory_space<vmem>> -> memref<64x128xf32, #tpu.memory_space<vmem>>
          %dma_start3A_388 = arith.constant 0 : i32
          %dma_start3A_389 = tpu.memref_slice %arg8[%add3A_383, %dma_start3A_388] : memref<64x64xi32, #tpu.memory_space<vmem>> -> memref<1x64xi32, #tpu.memory_space<vmem>>
          %dma_start3A_390 = tpu.memref_squeeze %dma_start3A_389 : memref<1x64xi32, #tpu.memory_space<vmem>> -> memref<64xi32, #tpu.memory_space<vmem>>
          %dma_start3A_391 = arith.constant 0 : i32
          %dma_start3A_392 = arith.constant 0 : i32
          %dma_start3A_393 = tpu.memref_slice %arg2[%dma_start3A_391, %dma_start3A_392] : memref<10000x128xf32, #tpu.memory_space<hbm>> -> memref<10000x128xf32, #tpu.memory_space<hbm>>
          tpu.enqueue_indirect_dma source(%dma_start3A_393 : memref<10000x128xf32, #tpu.memory_space<hbm>>) target(%dma_start3A_387 : memref<64x128xf32, #tpu.memory_space<vmem>>) offsets(%dma_start3A_390 : memref<64xi32, #tpu.memory_space<vmem>>) semaphore(%arg15 : memref<!tpu.dma_semaphore, #tpu.memory_space<semaphore_mem>>)
          %dma_wait3A_394 = arith.constant 0 : i32
          %dma_wait3A_395 = arith.constant 0 : i32
          %dma_wait3A_396 = arith.constant 0 : i32
          %dma_wait3A_397 = tpu.memref_slice %arg10[%cond3A_14, %dma_wait3A_395, %dma_wait3A_396] : memref<4x64x128xf32, #tpu.memory_space<vmem>> -> memref<1x64x128xf32, #tpu.memory_space<vmem>>
          %dma_wait3A_398 = tpu.memref_squeeze %dma_wait3A_397 : memref<1x64x128xf32, #tpu.memory_space<vmem>> -> memref<64x128xf32, #tpu.memory_space<vmem>>
          %dma_wait3A_399 = arith.constant 0 : i32
          %dma_wait3A_400 = tpu.memref_slice %arg8[%dma_wait3A_394, %dma_wait3A_399] : memref<64x64xi32, #tpu.memory_space<vmem>> -> memref<1x64xi32, #tpu.memory_space<vmem>>
          %dma_wait3A_401 = tpu.memref_squeeze %dma_wait3A_400 : memref<1x64xi32, #tpu.memory_space<vmem>> -> memref<64xi32, #tpu.memory_space<vmem>>
          %dma_wait3A_402 = arith.constant 0 : i32
          %dma_wait3A_403 = arith.constant 0 : i32
          %dma_wait3A_404 = tpu.memref_slice %arg2[%dma_wait3A_402, %dma_wait3A_403] : memref<10000x128xf32, #tpu.memory_space<hbm>> -> memref<10000x128xf32, #tpu.memory_space<hbm>>
          tpu.wait_indirect_dma semaphore(%arg13 : memref<!tpu.dma_semaphore, #tpu.memory_space<semaphore_mem>>) src(%dma_wait3A_404 : memref<10000x128xf32, #tpu.memory_space<hbm>>) dst(%dma_wait3A_398 : memref<64x128xf32, #tpu.memory_space<vmem>>)
          %dma_start3A_405 = arith.constant 0 : i32
          %dma_start3A_406 = arith.constant 0 : i32
          %dma_start3A_407 = tpu.memref_slice %arg10[%cond3A_14, %dma_start3A_405, %dma_start3A_406] : memref<4x64x128xf32, #tpu.memory_space<vmem>> -> memref<1x64x128xf32, #tpu.memory_space<vmem>>
          %dma_start3A_408 = tpu.memref_squeeze %dma_start3A_407 : memref<1x64x128xf32, #tpu.memory_space<vmem>> -> memref<64x128xf32, #tpu.memory_space<vmem>>
          %dma_start3A_409 = arith.constant 0 : i32
          %dma_start3A_410 = tpu.memref_slice %arg9[%add3A_370, %dma_start3A_409] : memref<64x64xi32, #tpu.memory_space<vmem>> -> memref<1x64xi32, #tpu.memory_space<vmem>>
          %dma_start3A_411 = tpu.memref_squeeze %dma_start3A_410 : memref<1x64xi32, #tpu.memory_space<vmem>> -> memref<64xi32, #tpu.memory_space<vmem>>
          %dma_start3A_412 = arith.constant 0 : i32
          %dma_start3A_413 = arith.constant 0 : i32
          %dma_start3A_414 = tpu.memref_slice %arg11[%dma_start3A_412, %dma_start3A_413] : memref<10240x128xf32, #tpu.memory_space<vmem_shared>> -> memref<10240x128xf32, #tpu.memory_space<vmem_shared>>
          tpu.enqueue_indirect_dma source(%dma_start3A_408 : memref<64x128xf32, #tpu.memory_space<vmem>>) target(%dma_start3A_414 : memref<10240x128xf32, #tpu.memory_space<vmem_shared>>) offsets(%dma_start3A_411 : memref<64xi32, #tpu.memory_space<vmem>>) semaphore(%arg17 : memref<!tpu.dma_semaphore, #tpu.memory_space<semaphore_mem>>) {add = true}
        }
        %scan3A_138 = arith.constant 15 : i32
        %dma_wait3A_139 = arith.constant 0 : i32
        %dma_wait3A_140 = arith.constant 0 : i32
        %dma_wait3A_141 = arith.constant 0 : i32
        %dma_wait3A_142 = tpu.memref_slice %arg10[%cond3A_15, %dma_wait3A_140, %dma_wait3A_141] : memref<4x64x128xf32, #tpu.memory_space<vmem>> -> memref<1x64x128xf32, #tpu.memory_space<vmem>>
        %dma_wait3A_143 = tpu.memref_squeeze %dma_wait3A_142 : memref<1x64x128xf32, #tpu.memory_space<vmem>> -> memref<64x128xf32, #tpu.memory_space<vmem>>
        %dma_wait3A_144 = arith.constant 0 : i32
        %dma_wait3A_145 = tpu.memref_slice %arg8[%dma_wait3A_139, %dma_wait3A_144] : memref<64x64xi32, #tpu.memory_space<vmem>> -> memref<1x64xi32, #tpu.memory_space<vmem>>
        %dma_wait3A_146 = tpu.memref_squeeze %dma_wait3A_145 : memref<1x64xi32, #tpu.memory_space<vmem>> -> memref<64xi32, #tpu.memory_space<vmem>>
        %dma_wait3A_147 = arith.constant 0 : i32
        %dma_wait3A_148 = arith.constant 0 : i32
        %dma_wait3A_149 = tpu.memref_slice %arg2[%dma_wait3A_147, %dma_wait3A_148] : memref<10000x128xf32, #tpu.memory_space<hbm>> -> memref<10000x128xf32, #tpu.memory_space<hbm>>
        tpu.wait_indirect_dma semaphore(%arg14 : memref<!tpu.dma_semaphore, #tpu.memory_space<semaphore_mem>>) src(%dma_wait3A_149 : memref<10000x128xf32, #tpu.memory_space<hbm>>) dst(%dma_wait3A_143 : memref<64x128xf32, #tpu.memory_space<vmem>>)
        %dma_start3A_150 = arith.constant 62 : i32
        %dma_start3A_151 = arith.constant 0 : i32
        %dma_start3A_152 = arith.constant 0 : i32
        %dma_start3A_153 = tpu.memref_slice %arg10[%cond3A_15, %dma_start3A_151, %dma_start3A_152] : memref<4x64x128xf32, #tpu.memory_space<vmem>> -> memref<1x64x128xf32, #tpu.memory_space<vmem>>
        %dma_start3A_154 = tpu.memref_squeeze %dma_start3A_153 : memref<1x64x128xf32, #tpu.memory_space<vmem>> -> memref<64x128xf32, #tpu.memory_space<vmem>>
        %dma_start3A_155 = arith.constant 0 : i32
        %dma_start3A_156 = tpu.memref_slice %arg9[%dma_start3A_150, %dma_start3A_155] : memref<64x64xi32, #tpu.memory_space<vmem>> -> memref<1x64xi32, #tpu.memory_space<vmem>>
        %dma_start3A_157 = tpu.memref_squeeze %dma_start3A_156 : memref<1x64xi32, #tpu.memory_space<vmem>> -> memref<64xi32, #tpu.memory_space<vmem>>
        %dma_start3A_158 = arith.constant 0 : i32
        %dma_start3A_159 = arith.constant 0 : i32
        %dma_start3A_160 = tpu.memref_slice %arg11[%dma_start3A_158, %dma_start3A_159] : memref<10240x128xf32, #tpu.memory_space<vmem_shared>> -> memref<10240x128xf32, #tpu.memory_space<vmem_shared>>
        tpu.enqueue_indirect_dma source(%dma_start3A_154 : memref<64x128xf32, #tpu.memory_space<vmem>>) target(%dma_start3A_160 : memref<10240x128xf32, #tpu.memory_space<vmem_shared>>) offsets(%dma_start3A_157 : memref<64xi32, #tpu.memory_space<vmem>>) semaphore(%arg18 : memref<!tpu.dma_semaphore, #tpu.memory_space<semaphore_mem>>) {add = true}
        %dma_wait3A_161 = arith.constant 0 : i32
        %dma_wait3A_162 = arith.constant 0 : i32
        %dma_wait3A_163 = arith.constant 0 : i32
        %dma_wait3A_164 = tpu.memref_slice %arg10[%cond3A_16, %dma_wait3A_162, %dma_wait3A_163] : memref<4x64x128xf32, #tpu.memory_space<vmem>> -> memref<1x64x128xf32, #tpu.memory_space<vmem>>
        %dma_wait3A_165 = tpu.memref_squeeze %dma_wait3A_164 : memref<1x64x128xf32, #tpu.memory_space<vmem>> -> memref<64x128xf32, #tpu.memory_space<vmem>>
        %dma_wait3A_166 = arith.constant 0 : i32
        %dma_wait3A_167 = tpu.memref_slice %arg8[%dma_wait3A_161, %dma_wait3A_166] : memref<64x64xi32, #tpu.memory_space<vmem>> -> memref<1x64xi32, #tpu.memory_space<vmem>>
        %dma_wait3A_168 = tpu.memref_squeeze %dma_wait3A_167 : memref<1x64xi32, #tpu.memory_space<vmem>> -> memref<64xi32, #tpu.memory_space<vmem>>
        %dma_wait3A_169 = arith.constant 0 : i32
        %dma_wait3A_170 = arith.constant 0 : i32
        %dma_wait3A_171 = tpu.memref_slice %arg2[%dma_wait3A_169, %dma_wait3A_170] : memref<10000x128xf32, #tpu.memory_space<hbm>> -> memref<10000x128xf32, #tpu.memory_space<hbm>>
        tpu.wait_indirect_dma semaphore(%arg15 : memref<!tpu.dma_semaphore, #tpu.memory_space<semaphore_mem>>) src(%dma_wait3A_171 : memref<10000x128xf32, #tpu.memory_space<hbm>>) dst(%dma_wait3A_165 : memref<64x128xf32, #tpu.memory_space<vmem>>)
        %dma_start3A_172 = arith.constant 63 : i32
        %dma_start3A_173 = arith.constant 0 : i32
        %dma_start3A_174 = arith.constant 0 : i32
        %dma_start3A_175 = tpu.memref_slice %arg10[%cond3A_16, %dma_start3A_173, %dma_start3A_174] : memref<4x64x128xf32, #tpu.memory_space<vmem>> -> memref<1x64x128xf32, #tpu.memory_space<vmem>>
        %dma_start3A_176 = tpu.memref_squeeze %dma_start3A_175 : memref<1x64x128xf32, #tpu.memory_space<vmem>> -> memref<64x128xf32, #tpu.memory_space<vmem>>
        %dma_start3A_177 = arith.constant 0 : i32
        %dma_start3A_178 = tpu.memref_slice %arg9[%dma_start3A_172, %dma_start3A_177] : memref<64x64xi32, #tpu.memory_space<vmem>> -> memref<1x64xi32, #tpu.memory_space<vmem>>
        %dma_start3A_179 = tpu.memref_squeeze %dma_start3A_178 : memref<1x64xi32, #tpu.memory_space<vmem>> -> memref<64xi32, #tpu.memory_space<vmem>>
        %dma_start3A_180 = arith.constant 0 : i32
        %dma_start3A_181 = arith.constant 0 : i32
        %dma_start3A_182 = tpu.memref_slice %arg11[%dma_start3A_180, %dma_start3A_181] : memref<10240x128xf32, #tpu.memory_space<vmem_shared>> -> memref<10240x128xf32, #tpu.memory_space<vmem_shared>>
        tpu.enqueue_indirect_dma source(%dma_start3A_176 : memref<64x128xf32, #tpu.memory_space<vmem>>) target(%dma_start3A_182 : memref<10240x128xf32, #tpu.memory_space<vmem_shared>>) offsets(%dma_start3A_179 : memref<64xi32, #tpu.memory_space<vmem>>) semaphore(%arg19 : memref<!tpu.dma_semaphore, #tpu.memory_space<semaphore_mem>>) {add = true}
        %dma_wait3A_183 = arith.constant 0 : i32
        %dma_wait3A_184 = arith.constant 0 : i32
        %dma_wait3A_185 = arith.constant 0 : i32
        %dma_wait3A_186 = tpu.memref_slice %arg10[%cond3A, %dma_wait3A_184, %dma_wait3A_185] : memref<4x64x128xf32, #tpu.memory_space<vmem>> -> memref<1x64x128xf32, #tpu.memory_space<vmem>>
        %dma_wait3A_187 = tpu.memref_squeeze %dma_wait3A_186 : memref<1x64x128xf32, #tpu.memory_space<vmem>> -> memref<64x128xf32, #tpu.memory_space<vmem>>
        %dma_wait3A_188 = arith.constant 0 : i32
        %dma_wait3A_189 = tpu.memref_slice %arg9[%dma_wait3A_183, %dma_wait3A_188] : memref<64x64xi32, #tpu.memory_space<vmem>> -> memref<1x64xi32, #tpu.memory_space<vmem>>
        %dma_wait3A_190 = tpu.memref_squeeze %dma_wait3A_189 : memref<1x64xi32, #tpu.memory_space<vmem>> -> memref<64xi32, #tpu.memory_space<vmem>>
        %dma_wait3A_191 = arith.constant 0 : i32
        %dma_wait3A_192 = arith.constant 0 : i32
        %dma_wait3A_193 = tpu.memref_slice %arg11[%dma_wait3A_191, %dma_wait3A_192] : memref<10240x128xf32, #tpu.memory_space<vmem_shared>> -> memref<10240x128xf32, #tpu.memory_space<vmem_shared>>
        tpu.wait_indirect_dma semaphore(%arg16 : memref<!tpu.dma_semaphore, #tpu.memory_space<semaphore_mem>>) src(%dma_wait3A_187 : memref<64x128xf32, #tpu.memory_space<vmem>>) dst(%dma_wait3A_193 : memref<10240x128xf32, #tpu.memory_space<vmem_shared>>)
        %dma_wait3A_194 = arith.constant 0 : i32
        %dma_wait3A_195 = arith.constant 0 : i32
        %dma_wait3A_196 = arith.constant 0 : i32
        %dma_wait3A_197 = tpu.memref_slice %arg10[%cond3A_14, %dma_wait3A_195, %dma_wait3A_196] : memref<4x64x128xf32, #tpu.memory_space<vmem>> -> memref<1x64x128xf32, #tpu.memory_space<vmem>>
        %dma_wait3A_198 = tpu.memref_squeeze %dma_wait3A_197 : memref<1x64x128xf32, #tpu.memory_space<vmem>> -> memref<64x128xf32, #tpu.memory_space<vmem>>
        %dma_wait3A_199 = arith.constant 0 : i32
        %dma_wait3A_200 = tpu.memref_slice %arg9[%dma_wait3A_194, %dma_wait3A_199] : memref<64x64xi32, #tpu.memory_space<vmem>> -> memref<1x64xi32, #tpu.memory_space<vmem>>
        %dma_wait3A_201 = tpu.memref_squeeze %dma_wait3A_200 : memref<1x64xi32, #tpu.memory_space<vmem>> -> memref<64xi32, #tpu.memory_space<vmem>>
        %dma_wait3A_202 = arith.constant 0 : i32
        %dma_wait3A_203 = arith.constant 0 : i32
        %dma_wait3A_204 = tpu.memref_slice %arg11[%dma_wait3A_202, %dma_wait3A_203] : memref<10240x128xf32, #tpu.memory_space<vmem_shared>> -> memref<10240x128xf32, #tpu.memory_space<vmem_shared>>
        tpu.wait_indirect_dma semaphore(%arg17 : memref<!tpu.dma_semaphore, #tpu.memory_space<semaphore_mem>>) src(%dma_wait3A_198 : memref<64x128xf32, #tpu.memory_space<vmem>>) dst(%dma_wait3A_204 : memref<10240x128xf32, #tpu.memory_space<vmem_shared>>)
        %dma_wait3A_205 = arith.constant 0 : i32
        %dma_wait3A_206 = arith.constant 0 : i32
        %dma_wait3A_207 = arith.constant 0 : i32
        %dma_wait3A_208 = tpu.memref_slice %arg10[%cond3A_15, %dma_wait3A_206, %dma_wait3A_207] : memref<4x64x128xf32, #tpu.memory_space<vmem>> -> memref<1x64x128xf32, #tpu.memory_space<vmem>>
        %dma_wait3A_209 = tpu.memref_squeeze %dma_wait3A_208 : memref<1x64x128xf32, #tpu.memory_space<vmem>> -> memref<64x128xf32, #tpu.memory_space<vmem>>
        %dma_wait3A_210 = arith.constant 0 : i32
        %dma_wait3A_211 = tpu.memref_slice %arg9[%dma_wait3A_205, %dma_wait3A_210] : memref<64x64xi32, #tpu.memory_space<vmem>> -> memref<1x64xi32, #tpu.memory_space<vmem>>
        %dma_wait3A_212 = tpu.memref_squeeze %dma_wait3A_211 : memref<1x64xi32, #tpu.memory_space<vmem>> -> memref<64xi32, #tpu.memory_space<vmem>>
        %dma_wait3A_213 = arith.constant 0 : i32
        %dma_wait3A_214 = arith.constant 0 : i32
        %dma_wait3A_215 = tpu.memref_slice %arg11[%dma_wait3A_213, %dma_wait3A_214] : memref<10240x128xf32, #tpu.memory_space<vmem_shared>> -> memref<10240x128xf32, #tpu.memory_space<vmem_shared>>
        tpu.wait_indirect_dma semaphore(%arg18 : memref<!tpu.dma_semaphore, #tpu.memory_space<semaphore_mem>>) src(%dma_wait3A_209 : memref<64x128xf32, #tpu.memory_space<vmem>>) dst(%dma_wait3A_215 : memref<10240x128xf32, #tpu.memory_space<vmem_shared>>)
        %dma_wait3A_216 = arith.constant 0 : i32
        %dma_wait3A_217 = arith.constant 0 : i32
        %dma_wait3A_218 = arith.constant 0 : i32
        %dma_wait3A_219 = tpu.memref_slice %arg10[%cond3A_16, %dma_wait3A_217, %dma_wait3A_218] : memref<4x64x128xf32, #tpu.memory_space<vmem>> -> memref<1x64x128xf32, #tpu.memory_space<vmem>>
        %dma_wait3A_220 = tpu.memref_squeeze %dma_wait3A_219 : memref<1x64x128xf32, #tpu.memory_space<vmem>> -> memref<64x128xf32, #tpu.memory_space<vmem>>
        %dma_wait3A_221 = arith.constant 0 : i32
        %dma_wait3A_222 = tpu.memref_slice %arg9[%dma_wait3A_216, %dma_wait3A_221] : memref<64x64xi32, #tpu.memory_space<vmem>> -> memref<1x64xi32, #tpu.memory_space<vmem>>
        %dma_wait3A_223 = tpu.memref_squeeze %dma_wait3A_222 : memref<1x64xi32, #tpu.memory_space<vmem>> -> memref<64xi32, #tpu.memory_space<vmem>>
        %dma_wait3A_224 = arith.constant 0 : i32
        %dma_wait3A_225 = arith.constant 0 : i32
        %dma_wait3A_226 = tpu.memref_slice %arg11[%dma_wait3A_224, %dma_wait3A_225] : memref<10240x128xf32, #tpu.memory_space<vmem_shared>> -> memref<10240x128xf32, #tpu.memory_space<vmem_shared>>
        tpu.wait_indirect_dma semaphore(%arg19 : memref<!tpu.dma_semaphore, #tpu.memory_space<semaphore_mem>>) src(%dma_wait3A_220 : memref<64x128xf32, #tpu.memory_space<vmem>>) dst(%dma_wait3A_226 : memref<10240x128xf32, #tpu.memory_space<vmem_shared>>)
      }
      %scan3A_45 = arith.constant 5 : i32
    } else {
    }
    %eq3A_19 = arith.constant 1 : i32
    %eq3A_20 = arith.cmpi eq, %arg0, %eq3A_19 : i32
    %convert_element_type3A_21 = arith.extui %eq3A_20 : i1 to i32
    %cond3A_22 = arith.constant 0 : i32
    %cond3A_23 = arith.constant 1 : i32
    %cond3A_24 = arith.constant 2 : i32
    %cond3A_25 = arith.constant 3 : i32
    %cond3A_26 = arith.constant 0 : i32
    %cond3A_27 = arith.cmpi ne, %convert_element_type3A_21, %cond3A_26 : i32
    scf.if %cond3A_27 {
      %scan3A_40 = arith.constant 0 : i32
      %scan3A_41 = arith.constant 0 : i32
      %scan3A_42 = arith.constant 5 : i32
      %scan3A_43 = arith.addi %scan3A_41, %scan3A_42 : i32
      %scan3A_44 = arith.constant 1 : i32
      scf.for %scan3A_46 = %scan3A_41 to %scan3A_43 step %scan3A_44  : i32 {
        "tpu.region"() ({
          %run_scoped3A = tpu.sem_alloc : memref<!tpu.dma_semaphore, #tpu.memory_space<semaphore_mem>>
          %dma_start3A_227 = arith.constant 0 : i32
          %dma_start3A_228 = arith.constant 0 : i32
          %dma_start3A_229 = tpu.memref_slice %arg4[%arg1, %scan3A_46, %dma_start3A_227, %dma_start3A_228] : memref<16x5x64x64xi32, #tpu.memory_space<hbm>> -> memref<1x1x64x64xi32, #tpu.memory_space<hbm>>
          %dma_start3A_230 = tpu.memref_squeeze %dma_start3A_229 : memref<1x1x64x64xi32, #tpu.memory_space<hbm>> -> memref<64x64xi32, #tpu.memory_space<hbm>>
          %dma_start3A_231 = arith.constant 0 : i32
          %dma_start3A_232 = arith.constant 0 : i32
          %dma_start3A_233 = tpu.memref_slice %arg4[%arg1, %scan3A_46, %dma_start3A_231, %dma_start3A_232] : memref<16x5x64x64xi32, #tpu.memory_space<hbm>> -> memref<1x1x64x64xi32, #tpu.memory_space<hbm>>
          %dma_start3A_234 = tpu.memref_squeeze %dma_start3A_233 : memref<1x1x64x64xi32, #tpu.memory_space<hbm>> -> memref<64x64xi32, #tpu.memory_space<hbm>>
          tpu.enqueue_dma source(%dma_start3A_234 : memref<64x64xi32, #tpu.memory_space<hbm>>) target(%arg8 : memref<64x64xi32, #tpu.memory_space<vmem>>) target_semaphore(%run_scoped3A : memref<!tpu.dma_semaphore, #tpu.memory_space<semaphore_mem>>)
          %dma_wait3A_235 = arith.constant 0 : i32
          %dma_wait3A_236 = arith.constant 0 : i32
          %dma_wait3A_237 = tpu.memref_slice %arg4[%arg1, %scan3A_46, %dma_wait3A_235, %dma_wait3A_236] : memref<16x5x64x64xi32, #tpu.memory_space<hbm>> -> memref<1x1x64x64xi32, #tpu.memory_space<hbm>>
          %dma_wait3A_238 = tpu.memref_squeeze %dma_wait3A_237 : memref<1x1x64x64xi32, #tpu.memory_space<hbm>> -> memref<64x64xi32, #tpu.memory_space<hbm>>
          %dma_wait3A_239 = arith.constant 0 : i32
          %dma_wait3A_240 = arith.constant 0 : i32
          %dma_wait3A_241 = tpu.memref_slice %arg4[%arg1, %scan3A_46, %dma_wait3A_239, %dma_wait3A_240] : memref<16x5x64x64xi32, #tpu.memory_space<hbm>> -> memref<1x1x64x64xi32, #tpu.memory_space<hbm>>
          %dma_wait3A_242 = tpu.memref_squeeze %dma_wait3A_241 : memref<1x1x64x64xi32, #tpu.memory_space<hbm>> -> memref<64x64xi32, #tpu.memory_space<hbm>>
          tpu.wait_dma2 semaphore(%run_scoped3A : memref<!tpu.dma_semaphore, #tpu.memory_space<semaphore_mem>>) src(%dma_wait3A_242 : memref<64x64xi32, #tpu.memory_space<hbm>>) dst(%arg8 : memref<64x64xi32, #tpu.memory_space<vmem>>)
          tpu.yield
        }) : () -> ()
        "tpu.region"() ({
          %run_scoped3A = tpu.sem_alloc : memref<!tpu.dma_semaphore, #tpu.memory_space<semaphore_mem>>
          %dma_start3A_227 = arith.constant 0 : i32
          %dma_start3A_228 = arith.constant 0 : i32
          %dma_start3A_229 = tpu.memref_slice %arg5[%arg1, %scan3A_46, %dma_start3A_227, %dma_start3A_228] : memref<16x5x64x64xi32, #tpu.memory_space<hbm>> -> memref<1x1x64x64xi32, #tpu.memory_space<hbm>>
          %dma_start3A_230 = tpu.memref_squeeze %dma_start3A_229 : memref<1x1x64x64xi32, #tpu.memory_space<hbm>> -> memref<64x64xi32, #tpu.memory_space<hbm>>
          %dma_start3A_231 = arith.constant 0 : i32
          %dma_start3A_232 = arith.constant 0 : i32
          %dma_start3A_233 = tpu.memref_slice %arg5[%arg1, %scan3A_46, %dma_start3A_231, %dma_start3A_232] : memref<16x5x64x64xi32, #tpu.memory_space<hbm>> -> memref<1x1x64x64xi32, #tpu.memory_space<hbm>>
          %dma_start3A_234 = tpu.memref_squeeze %dma_start3A_233 : memref<1x1x64x64xi32, #tpu.memory_space<hbm>> -> memref<64x64xi32, #tpu.memory_space<hbm>>
          tpu.enqueue_dma source(%dma_start3A_234 : memref<64x64xi32, #tpu.memory_space<hbm>>) target(%arg9 : memref<64x64xi32, #tpu.memory_space<vmem>>) target_semaphore(%run_scoped3A : memref<!tpu.dma_semaphore, #tpu.memory_space<semaphore_mem>>)
          %dma_wait3A_235 = arith.constant 0 : i32
          %dma_wait3A_236 = arith.constant 0 : i32
          %dma_wait3A_237 = tpu.memref_slice %arg5[%arg1, %scan3A_46, %dma_wait3A_235, %dma_wait3A_236] : memref<16x5x64x64xi32, #tpu.memory_space<hbm>> -> memref<1x1x64x64xi32, #tpu.memory_space<hbm>>
          %dma_wait3A_238 = tpu.memref_squeeze %dma_wait3A_237 : memref<1x1x64x64xi32, #tpu.memory_space<hbm>> -> memref<64x64xi32, #tpu.memory_space<hbm>>
          %dma_wait3A_239 = arith.constant 0 : i32
          %dma_wait3A_240 = arith.constant 0 : i32
          %dma_wait3A_241 = tpu.memref_slice %arg5[%arg1, %scan3A_46, %dma_wait3A_239, %dma_wait3A_240] : memref<16x5x64x64xi32, #tpu.memory_space<hbm>> -> memref<1x1x64x64xi32, #tpu.memory_space<hbm>>
          %dma_wait3A_242 = tpu.memref_squeeze %dma_wait3A_241 : memref<1x1x64x64xi32, #tpu.memory_space<hbm>> -> memref<64x64xi32, #tpu.memory_space<hbm>>
          tpu.wait_dma2 semaphore(%run_scoped3A : memref<!tpu.dma_semaphore, #tpu.memory_space<semaphore_mem>>) src(%dma_wait3A_242 : memref<64x64xi32, #tpu.memory_space<hbm>>) dst(%arg9 : memref<64x64xi32, #tpu.memory_space<vmem>>)
          tpu.yield
        }) : () -> ()
        %dma_start3A = arith.constant 0 : i32
        %dma_start3A_47 = arith.constant 0 : i32
        %dma_start3A_48 = arith.constant 0 : i32
        %dma_start3A_49 = tpu.memref_slice %arg10[%cond3A_22, %dma_start3A_47, %dma_start3A_48] : memref<4x64x128xf32, #tpu.memory_space<vmem>> -> memref<1x64x128xf32, #tpu.memory_space<vmem>>
        %dma_start3A_50 = tpu.memref_squeeze %dma_start3A_49 : memref<1x64x128xf32, #tpu.memory_space<vmem>> -> memref<64x128xf32, #tpu.memory_space<vmem>>
        %dma_start3A_51 = arith.constant 0 : i32
        %dma_start3A_52 = tpu.memref_slice %arg8[%dma_start3A, %dma_start3A_51] : memref<64x64xi32, #tpu.memory_space<vmem>> -> memref<1x64xi32, #tpu.memory_space<vmem>>
        %dma_start3A_53 = tpu.memref_squeeze %dma_start3A_52 : memref<1x64xi32, #tpu.memory_space<vmem>> -> memref<64xi32, #tpu.memory_space<vmem>>
        %dma_start3A_54 = arith.constant 0 : i32
        %dma_start3A_55 = arith.constant 0 : i32
        %dma_start3A_56 = tpu.memref_slice %arg3[%dma_start3A_54, %dma_start3A_55] : memref<10000x128xf32, #tpu.memory_space<hbm>> -> memref<10000x128xf32, #tpu.memory_space<hbm>>
        tpu.enqueue_indirect_dma source(%dma_start3A_56 : memref<10000x128xf32, #tpu.memory_space<hbm>>) target(%dma_start3A_50 : memref<64x128xf32, #tpu.memory_space<vmem>>) offsets(%dma_start3A_53 : memref<64xi32, #tpu.memory_space<vmem>>) semaphore(%arg12 : memref<!tpu.dma_semaphore, #tpu.memory_space<semaphore_mem>>)
        %dma_start3A_57 = arith.constant 1 : i32
        %dma_start3A_58 = arith.constant 0 : i32
        %dma_start3A_59 = arith.constant 0 : i32
        %dma_start3A_60 = tpu.memref_slice %arg10[%cond3A_23, %dma_start3A_58, %dma_start3A_59] : memref<4x64x128xf32, #tpu.memory_space<vmem>> -> memref<1x64x128xf32, #tpu.memory_space<vmem>>
        %dma_start3A_61 = tpu.memref_squeeze %dma_start3A_60 : memref<1x64x128xf32, #tpu.memory_space<vmem>> -> memref<64x128xf32, #tpu.memory_space<vmem>>
        %dma_start3A_62 = arith.constant 0 : i32
        %dma_start3A_63 = tpu.memref_slice %arg8[%dma_start3A_57, %dma_start3A_62] : memref<64x64xi32, #tpu.memory_space<vmem>> -> memref<1x64xi32, #tpu.memory_space<vmem>>
        %dma_start3A_64 = tpu.memref_squeeze %dma_start3A_63 : memref<1x64xi32, #tpu.memory_space<vmem>> -> memref<64xi32, #tpu.memory_space<vmem>>
        %dma_start3A_65 = arith.constant 0 : i32
        %dma_start3A_66 = arith.constant 0 : i32
        %dma_start3A_67 = tpu.memref_slice %arg3[%dma_start3A_65, %dma_start3A_66] : memref<10000x128xf32, #tpu.memory_space<hbm>> -> memref<10000x128xf32, #tpu.memory_space<hbm>>
        tpu.enqueue_indirect_dma source(%dma_start3A_67 : memref<10000x128xf32, #tpu.memory_space<hbm>>) target(%dma_start3A_61 : memref<64x128xf32, #tpu.memory_space<vmem>>) offsets(%dma_start3A_64 : memref<64xi32, #tpu.memory_space<vmem>>) semaphore(%arg13 : memref<!tpu.dma_semaphore, #tpu.memory_space<semaphore_mem>>)
        %dma_start3A_68 = arith.constant 2 : i32
        %dma_start3A_69 = arith.constant 0 : i32
        %dma_start3A_70 = arith.constant 0 : i32
        %dma_start3A_71 = tpu.memref_slice %arg10[%cond3A_24, %dma_start3A_69, %dma_start3A_70] : memref<4x64x128xf32, #tpu.memory_space<vmem>> -> memref<1x64x128xf32, #tpu.memory_space<vmem>>
        %dma_start3A_72 = tpu.memref_squeeze %dma_start3A_71 : memref<1x64x128xf32, #tpu.memory_space<vmem>> -> memref<64x128xf32, #tpu.memory_space<vmem>>
        %dma_start3A_73 = arith.constant 0 : i32
        %dma_start3A_74 = tpu.memref_slice %arg8[%dma_start3A_68, %dma_start3A_73] : memref<64x64xi32, #tpu.memory_space<vmem>> -> memref<1x64xi32, #tpu.memory_space<vmem>>
        %dma_start3A_75 = tpu.memref_squeeze %dma_start3A_74 : memref<1x64xi32, #tpu.memory_space<vmem>> -> memref<64xi32, #tpu.memory_space<vmem>>
        %dma_start3A_76 = arith.constant 0 : i32
        %dma_start3A_77 = arith.constant 0 : i32
        %dma_start3A_78 = tpu.memref_slice %arg3[%dma_start3A_76, %dma_start3A_77] : memref<10000x128xf32, #tpu.memory_space<hbm>> -> memref<10000x128xf32, #tpu.memory_space<hbm>>
        tpu.enqueue_indirect_dma source(%dma_start3A_78 : memref<10000x128xf32, #tpu.memory_space<hbm>>) target(%dma_start3A_72 : memref<64x128xf32, #tpu.memory_space<vmem>>) offsets(%dma_start3A_75 : memref<64xi32, #tpu.memory_space<vmem>>) semaphore(%arg14 : memref<!tpu.dma_semaphore, #tpu.memory_space<semaphore_mem>>)
        %dma_wait3A = arith.constant 0 : i32
        %dma_wait3A_79 = arith.constant 0 : i32
        %dma_wait3A_80 = arith.constant 0 : i32
        %dma_wait3A_81 = tpu.memref_slice %arg10[%cond3A_22, %dma_wait3A_79, %dma_wait3A_80] : memref<4x64x128xf32, #tpu.memory_space<vmem>> -> memref<1x64x128xf32, #tpu.memory_space<vmem>>
        %dma_wait3A_82 = tpu.memref_squeeze %dma_wait3A_81 : memref<1x64x128xf32, #tpu.memory_space<vmem>> -> memref<64x128xf32, #tpu.memory_space<vmem>>
        %dma_wait3A_83 = arith.constant 0 : i32
        %dma_wait3A_84 = tpu.memref_slice %arg8[%dma_wait3A, %dma_wait3A_83] : memref<64x64xi32, #tpu.memory_space<vmem>> -> memref<1x64xi32, #tpu.memory_space<vmem>>
        %dma_wait3A_85 = tpu.memref_squeeze %dma_wait3A_84 : memref<1x64xi32, #tpu.memory_space<vmem>> -> memref<64xi32, #tpu.memory_space<vmem>>
        %dma_wait3A_86 = arith.constant 0 : i32
        %dma_wait3A_87 = arith.constant 0 : i32
        %dma_wait3A_88 = tpu.memref_slice %arg3[%dma_wait3A_86, %dma_wait3A_87] : memref<10000x128xf32, #tpu.memory_space<hbm>> -> memref<10000x128xf32, #tpu.memory_space<hbm>>
        tpu.wait_indirect_dma semaphore(%arg12 : memref<!tpu.dma_semaphore, #tpu.memory_space<semaphore_mem>>) src(%dma_wait3A_88 : memref<10000x128xf32, #tpu.memory_space<hbm>>) dst(%dma_wait3A_82 : memref<64x128xf32, #tpu.memory_space<vmem>>)
        %dma_start3A_89 = arith.constant 0 : i32
        %dma_start3A_90 = arith.constant 0 : i32
        %dma_start3A_91 = arith.constant 0 : i32
        %dma_start3A_92 = tpu.memref_slice %arg10[%cond3A_22, %dma_start3A_90, %dma_start3A_91] : memref<4x64x128xf32, #tpu.memory_space<vmem>> -> memref<1x64x128xf32, #tpu.memory_space<vmem>>
        %dma_start3A_93 = tpu.memref_squeeze %dma_start3A_92 : memref<1x64x128xf32, #tpu.memory_space<vmem>> -> memref<64x128xf32, #tpu.memory_space<vmem>>
        %dma_start3A_94 = arith.constant 0 : i32
        %dma_start3A_95 = tpu.memref_slice %arg9[%dma_start3A_89, %dma_start3A_94] : memref<64x64xi32, #tpu.memory_space<vmem>> -> memref<1x64xi32, #tpu.memory_space<vmem>>
        %dma_start3A_96 = tpu.memref_squeeze %dma_start3A_95 : memref<1x64xi32, #tpu.memory_space<vmem>> -> memref<64xi32, #tpu.memory_space<vmem>>
        %dma_start3A_97 = arith.constant 0 : i32
        %dma_start3A_98 = arith.constant 0 : i32
        %dma_start3A_99 = tpu.memref_slice %arg11[%dma_start3A_97, %dma_start3A_98] : memref<10240x128xf32, #tpu.memory_space<vmem_shared>> -> memref<10240x128xf32, #tpu.memory_space<vmem_shared>>
        tpu.enqueue_indirect_dma source(%dma_start3A_93 : memref<64x128xf32, #tpu.memory_space<vmem>>) target(%dma_start3A_99 : memref<10240x128xf32, #tpu.memory_space<vmem_shared>>) offsets(%dma_start3A_96 : memref<64xi32, #tpu.memory_space<vmem>>) semaphore(%arg16 : memref<!tpu.dma_semaphore, #tpu.memory_space<semaphore_mem>>) {add = true}
        %dma_start3A_100 = arith.constant 3 : i32
        %dma_start3A_101 = arith.constant 0 : i32
        %dma_start3A_102 = arith.constant 0 : i32
        %dma_start3A_103 = tpu.memref_slice %arg10[%cond3A_25, %dma_start3A_101, %dma_start3A_102] : memref<4x64x128xf32, #tpu.memory_space<vmem>> -> memref<1x64x128xf32, #tpu.memory_space<vmem>>
        %dma_start3A_104 = tpu.memref_squeeze %dma_start3A_103 : memref<1x64x128xf32, #tpu.memory_space<vmem>> -> memref<64x128xf32, #tpu.memory_space<vmem>>
        %dma_start3A_105 = arith.constant 0 : i32
        %dma_start3A_106 = tpu.memref_slice %arg8[%dma_start3A_100, %dma_start3A_105] : memref<64x64xi32, #tpu.memory_space<vmem>> -> memref<1x64xi32, #tpu.memory_space<vmem>>
        %dma_start3A_107 = tpu.memref_squeeze %dma_start3A_106 : memref<1x64xi32, #tpu.memory_space<vmem>> -> memref<64xi32, #tpu.memory_space<vmem>>
        %dma_start3A_108 = arith.constant 0 : i32
        %dma_start3A_109 = arith.constant 0 : i32
        %dma_start3A_110 = tpu.memref_slice %arg3[%dma_start3A_108, %dma_start3A_109] : memref<10000x128xf32, #tpu.memory_space<hbm>> -> memref<10000x128xf32, #tpu.memory_space<hbm>>
        tpu.enqueue_indirect_dma source(%dma_start3A_110 : memref<10000x128xf32, #tpu.memory_space<hbm>>) target(%dma_start3A_104 : memref<64x128xf32, #tpu.memory_space<vmem>>) offsets(%dma_start3A_107 : memref<64xi32, #tpu.memory_space<vmem>>) semaphore(%arg15 : memref<!tpu.dma_semaphore, #tpu.memory_space<semaphore_mem>>)
        %dma_wait3A_111 = arith.constant 0 : i32
        %dma_wait3A_112 = arith.constant 0 : i32
        %dma_wait3A_113 = arith.constant 0 : i32
        %dma_wait3A_114 = tpu.memref_slice %arg10[%cond3A_23, %dma_wait3A_112, %dma_wait3A_113] : memref<4x64x128xf32, #tpu.memory_space<vmem>> -> memref<1x64x128xf32, #tpu.memory_space<vmem>>
        %dma_wait3A_115 = tpu.memref_squeeze %dma_wait3A_114 : memref<1x64x128xf32, #tpu.memory_space<vmem>> -> memref<64x128xf32, #tpu.memory_space<vmem>>
        %dma_wait3A_116 = arith.constant 0 : i32
        %dma_wait3A_117 = tpu.memref_slice %arg8[%dma_wait3A_111, %dma_wait3A_116] : memref<64x64xi32, #tpu.memory_space<vmem>> -> memref<1x64xi32, #tpu.memory_space<vmem>>
        %dma_wait3A_118 = tpu.memref_squeeze %dma_wait3A_117 : memref<1x64xi32, #tpu.memory_space<vmem>> -> memref<64xi32, #tpu.memory_space<vmem>>
        %dma_wait3A_119 = arith.constant 0 : i32
        %dma_wait3A_120 = arith.constant 0 : i32
        %dma_wait3A_121 = tpu.memref_slice %arg3[%dma_wait3A_119, %dma_wait3A_120] : memref<10000x128xf32, #tpu.memory_space<hbm>> -> memref<10000x128xf32, #tpu.memory_space<hbm>>
        tpu.wait_indirect_dma semaphore(%arg13 : memref<!tpu.dma_semaphore, #tpu.memory_space<semaphore_mem>>) src(%dma_wait3A_121 : memref<10000x128xf32, #tpu.memory_space<hbm>>) dst(%dma_wait3A_115 : memref<64x128xf32, #tpu.memory_space<vmem>>)
        %dma_start3A_122 = arith.constant 1 : i32
        %dma_start3A_123 = arith.constant 0 : i32
        %dma_start3A_124 = arith.constant 0 : i32
        %dma_start3A_125 = tpu.memref_slice %arg10[%cond3A_23, %dma_start3A_123, %dma_start3A_124] : memref<4x64x128xf32, #tpu.memory_space<vmem>> -> memref<1x64x128xf32, #tpu.memory_space<vmem>>
        %dma_start3A_126 = tpu.memref_squeeze %dma_start3A_125 : memref<1x64x128xf32, #tpu.memory_space<vmem>> -> memref<64x128xf32, #tpu.memory_space<vmem>>
        %dma_start3A_127 = arith.constant 0 : i32
        %dma_start3A_128 = tpu.memref_slice %arg9[%dma_start3A_122, %dma_start3A_127] : memref<64x64xi32, #tpu.memory_space<vmem>> -> memref<1x64xi32, #tpu.memory_space<vmem>>
        %dma_start3A_129 = tpu.memref_squeeze %dma_start3A_128 : memref<1x64xi32, #tpu.memory_space<vmem>> -> memref<64xi32, #tpu.memory_space<vmem>>
        %dma_start3A_130 = arith.constant 0 : i32
        %dma_start3A_131 = arith.constant 0 : i32
        %dma_start3A_132 = tpu.memref_slice %arg11[%dma_start3A_130, %dma_start3A_131] : memref<10240x128xf32, #tpu.memory_space<vmem_shared>> -> memref<10240x128xf32, #tpu.memory_space<vmem_shared>>
        tpu.enqueue_indirect_dma source(%dma_start3A_126 : memref<64x128xf32, #tpu.memory_space<vmem>>) target(%dma_start3A_132 : memref<10240x128xf32, #tpu.memory_space<vmem_shared>>) offsets(%dma_start3A_129 : memref<64xi32, #tpu.memory_space<vmem>>) semaphore(%arg17 : memref<!tpu.dma_semaphore, #tpu.memory_space<semaphore_mem>>) {add = true}
        %scan3A_133 = arith.constant 0 : i32
        %scan3A_134 = arith.constant 0 : i32
        %scan3A_135 = arith.constant 15 : i32
        %scan3A_136 = arith.addi %scan3A_134, %scan3A_135 : i32
        %scan3A_137 = arith.constant 1 : i32
        scf.for %scan3A_227 = %scan3A_134 to %scan3A_136 step %scan3A_137  : i32 {
          %mul3A_228 = arith.constant 4 : i32
          %mul3A_229 = arith.muli %mul3A_228, %scan3A_227 : i32
          %add3A = arith.constant 2 : i32
          %add3A_230 = arith.addi %mul3A_229, %add3A : i32
          %add3A_231 = arith.constant 0 : i32
          %add3A_232 = arith.addi %add3A_230, %add3A_231 : i32
          %dma_wait3A_233 = arith.constant 0 : i32
          %dma_wait3A_234 = arith.constant 0 : i32
          %dma_wait3A_235 = arith.constant 0 : i32
          %dma_wait3A_236 = tpu.memref_slice %arg10[%cond3A_22, %dma_wait3A_234, %dma_wait3A_235] : memref<4x64x128xf32, #tpu.memory_space<vmem>> -> memref<1x64x128xf32, #tpu.memory_space<vmem>>
          %dma_wait3A_237 = tpu.memref_squeeze %dma_wait3A_236 : memref<1x64x128xf32, #tpu.memory_space<vmem>> -> memref<64x128xf32, #tpu.memory_space<vmem>>
          %dma_wait3A_238 = arith.constant 0 : i32
          %dma_wait3A_239 = tpu.memref_slice %arg9[%dma_wait3A_233, %dma_wait3A_238] : memref<64x64xi32, #tpu.memory_space<vmem>> -> memref<1x64xi32, #tpu.memory_space<vmem>>
          %dma_wait3A_240 = tpu.memref_squeeze %dma_wait3A_239 : memref<1x64xi32, #tpu.memory_space<vmem>> -> memref<64xi32, #tpu.memory_space<vmem>>
          %dma_wait3A_241 = arith.constant 0 : i32
          %dma_wait3A_242 = arith.constant 0 : i32
          %dma_wait3A_243 = tpu.memref_slice %arg11[%dma_wait3A_241, %dma_wait3A_242] : memref<10240x128xf32, #tpu.memory_space<vmem_shared>> -> memref<10240x128xf32, #tpu.memory_space<vmem_shared>>
          tpu.wait_indirect_dma semaphore(%arg16 : memref<!tpu.dma_semaphore, #tpu.memory_space<semaphore_mem>>) src(%dma_wait3A_237 : memref<64x128xf32, #tpu.memory_space<vmem>>) dst(%dma_wait3A_243 : memref<10240x128xf32, #tpu.memory_space<vmem_shared>>)
          %add3A_244 = arith.constant 2 : i32
          %add3A_245 = arith.addi %add3A_232, %add3A_244 : i32
          %dma_start3A_246 = arith.constant 0 : i32
          %dma_start3A_247 = arith.constant 0 : i32
          %dma_start3A_248 = tpu.memref_slice %arg10[%cond3A_22, %dma_start3A_246, %dma_start3A_247] : memref<4x64x128xf32, #tpu.memory_space<vmem>> -> memref<1x64x128xf32, #tpu.memory_space<vmem>>
          %dma_start3A_249 = tpu.memref_squeeze %dma_start3A_248 : memref<1x64x128xf32, #tpu.memory_space<vmem>> -> memref<64x128xf32, #tpu.memory_space<vmem>>
          %dma_start3A_250 = arith.constant 0 : i32
          %dma_start3A_251 = tpu.memref_slice %arg8[%add3A_245, %dma_start3A_250] : memref<64x64xi32, #tpu.memory_space<vmem>> -> memref<1x64xi32, #tpu.memory_space<vmem>>
          %dma_start3A_252 = tpu.memref_squeeze %dma_start3A_251 : memref<1x64xi32, #tpu.memory_space<vmem>> -> memref<64xi32, #tpu.memory_space<vmem>>
          %dma_start3A_253 = arith.constant 0 : i32
          %dma_start3A_254 = arith.constant 0 : i32
          %dma_start3A_255 = tpu.memref_slice %arg3[%dma_start3A_253, %dma_start3A_254] : memref<10000x128xf32, #tpu.memory_space<hbm>> -> memref<10000x128xf32, #tpu.memory_space<hbm>>
          tpu.enqueue_indirect_dma source(%dma_start3A_255 : memref<10000x128xf32, #tpu.memory_space<hbm>>) target(%dma_start3A_249 : memref<64x128xf32, #tpu.memory_space<vmem>>) offsets(%dma_start3A_252 : memref<64xi32, #tpu.memory_space<vmem>>) semaphore(%arg12 : memref<!tpu.dma_semaphore, #tpu.memory_space<semaphore_mem>>)
          %dma_wait3A_256 = arith.constant 0 : i32
          %dma_wait3A_257 = arith.constant 0 : i32
          %dma_wait3A_258 = arith.constant 0 : i32
          %dma_wait3A_259 = tpu.memref_slice %arg10[%cond3A_24, %dma_wait3A_257, %dma_wait3A_258] : memref<4x64x128xf32, #tpu.memory_space<vmem>> -> memref<1x64x128xf32, #tpu.memory_space<vmem>>
          %dma_wait3A_260 = tpu.memref_squeeze %dma_wait3A_259 : memref<1x64x128xf32, #tpu.memory_space<vmem>> -> memref<64x128xf32, #tpu.memory_space<vmem>>
          %dma_wait3A_261 = arith.constant 0 : i32
          %dma_wait3A_262 = tpu.memref_slice %arg8[%dma_wait3A_256, %dma_wait3A_261] : memref<64x64xi32, #tpu.memory_space<vmem>> -> memref<1x64xi32, #tpu.memory_space<vmem>>
          %dma_wait3A_263 = tpu.memref_squeeze %dma_wait3A_262 : memref<1x64xi32, #tpu.memory_space<vmem>> -> memref<64xi32, #tpu.memory_space<vmem>>
          %dma_wait3A_264 = arith.constant 0 : i32
          %dma_wait3A_265 = arith.constant 0 : i32
          %dma_wait3A_266 = tpu.memref_slice %arg3[%dma_wait3A_264, %dma_wait3A_265] : memref<10000x128xf32, #tpu.memory_space<hbm>> -> memref<10000x128xf32, #tpu.memory_space<hbm>>
          tpu.wait_indirect_dma semaphore(%arg14 : memref<!tpu.dma_semaphore, #tpu.memory_space<semaphore_mem>>) src(%dma_wait3A_266 : memref<10000x128xf32, #tpu.memory_space<hbm>>) dst(%dma_wait3A_260 : memref<64x128xf32, #tpu.memory_space<vmem>>)
          %dma_start3A_267 = arith.constant 0 : i32
          %dma_start3A_268 = arith.constant 0 : i32
          %dma_start3A_269 = tpu.memref_slice %arg10[%cond3A_24, %dma_start3A_267, %dma_start3A_268] : memref<4x64x128xf32, #tpu.memory_space<vmem>> -> memref<1x64x128xf32, #tpu.memory_space<vmem>>
          %dma_start3A_270 = tpu.memref_squeeze %dma_start3A_269 : memref<1x64x128xf32, #tpu.memory_space<vmem>> -> memref<64x128xf32, #tpu.memory_space<vmem>>
          %dma_start3A_271 = arith.constant 0 : i32
          %dma_start3A_272 = tpu.memref_slice %arg9[%add3A_232, %dma_start3A_271] : memref<64x64xi32, #tpu.memory_space<vmem>> -> memref<1x64xi32, #tpu.memory_space<vmem>>
          %dma_start3A_273 = tpu.memref_squeeze %dma_start3A_272 : memref<1x64xi32, #tpu.memory_space<vmem>> -> memref<64xi32, #tpu.memory_space<vmem>>
          %dma_start3A_274 = arith.constant 0 : i32
          %dma_start3A_275 = arith.constant 0 : i32
          %dma_start3A_276 = tpu.memref_slice %arg11[%dma_start3A_274, %dma_start3A_275] : memref<10240x128xf32, #tpu.memory_space<vmem_shared>> -> memref<10240x128xf32, #tpu.memory_space<vmem_shared>>
          tpu.enqueue_indirect_dma source(%dma_start3A_270 : memref<64x128xf32, #tpu.memory_space<vmem>>) target(%dma_start3A_276 : memref<10240x128xf32, #tpu.memory_space<vmem_shared>>) offsets(%dma_start3A_273 : memref<64xi32, #tpu.memory_space<vmem>>) semaphore(%arg18 : memref<!tpu.dma_semaphore, #tpu.memory_space<semaphore_mem>>) {add = true}
          %add3A_277 = arith.constant 1 : i32
          %add3A_278 = arith.addi %add3A_230, %add3A_277 : i32
          %dma_wait3A_279 = arith.constant 0 : i32
          %dma_wait3A_280 = arith.constant 0 : i32
          %dma_wait3A_281 = arith.constant 0 : i32
          %dma_wait3A_282 = tpu.memref_slice %arg10[%cond3A_23, %dma_wait3A_280, %dma_wait3A_281] : memref<4x64x128xf32, #tpu.memory_space<vmem>> -> memref<1x64x128xf32, #tpu.memory_space<vmem>>
          %dma_wait3A_283 = tpu.memref_squeeze %dma_wait3A_282 : memref<1x64x128xf32, #tpu.memory_space<vmem>> -> memref<64x128xf32, #tpu.memory_space<vmem>>
          %dma_wait3A_284 = arith.constant 0 : i32
          %dma_wait3A_285 = tpu.memref_slice %arg9[%dma_wait3A_279, %dma_wait3A_284] : memref<64x64xi32, #tpu.memory_space<vmem>> -> memref<1x64xi32, #tpu.memory_space<vmem>>
          %dma_wait3A_286 = tpu.memref_squeeze %dma_wait3A_285 : memref<1x64xi32, #tpu.memory_space<vmem>> -> memref<64xi32, #tpu.memory_space<vmem>>
          %dma_wait3A_287 = arith.constant 0 : i32
          %dma_wait3A_288 = arith.constant 0 : i32
          %dma_wait3A_289 = tpu.memref_slice %arg11[%dma_wait3A_287, %dma_wait3A_288] : memref<10240x128xf32, #tpu.memory_space<vmem_shared>> -> memref<10240x128xf32, #tpu.memory_space<vmem_shared>>
          tpu.wait_indirect_dma semaphore(%arg17 : memref<!tpu.dma_semaphore, #tpu.memory_space<semaphore_mem>>) src(%dma_wait3A_283 : memref<64x128xf32, #tpu.memory_space<vmem>>) dst(%dma_wait3A_289 : memref<10240x128xf32, #tpu.memory_space<vmem_shared>>)
          %add3A_290 = arith.constant 2 : i32
          %add3A_291 = arith.addi %add3A_278, %add3A_290 : i32
          %dma_start3A_292 = arith.constant 0 : i32
          %dma_start3A_293 = arith.constant 0 : i32
          %dma_start3A_294 = tpu.memref_slice %arg10[%cond3A_23, %dma_start3A_292, %dma_start3A_293] : memref<4x64x128xf32, #tpu.memory_space<vmem>> -> memref<1x64x128xf32, #tpu.memory_space<vmem>>
          %dma_start3A_295 = tpu.memref_squeeze %dma_start3A_294 : memref<1x64x128xf32, #tpu.memory_space<vmem>> -> memref<64x128xf32, #tpu.memory_space<vmem>>
          %dma_start3A_296 = arith.constant 0 : i32
          %dma_start3A_297 = tpu.memref_slice %arg8[%add3A_291, %dma_start3A_296] : memref<64x64xi32, #tpu.memory_space<vmem>> -> memref<1x64xi32, #tpu.memory_space<vmem>>
          %dma_start3A_298 = tpu.memref_squeeze %dma_start3A_297 : memref<1x64xi32, #tpu.memory_space<vmem>> -> memref<64xi32, #tpu.memory_space<vmem>>
          %dma_start3A_299 = arith.constant 0 : i32
          %dma_start3A_300 = arith.constant 0 : i32
          %dma_start3A_301 = tpu.memref_slice %arg3[%dma_start3A_299, %dma_start3A_300] : memref<10000x128xf32, #tpu.memory_space<hbm>> -> memref<10000x128xf32, #tpu.memory_space<hbm>>
          tpu.enqueue_indirect_dma source(%dma_start3A_301 : memref<10000x128xf32, #tpu.memory_space<hbm>>) target(%dma_start3A_295 : memref<64x128xf32, #tpu.memory_space<vmem>>) offsets(%dma_start3A_298 : memref<64xi32, #tpu.memory_space<vmem>>) semaphore(%arg13 : memref<!tpu.dma_semaphore, #tpu.memory_space<semaphore_mem>>)
          %dma_wait3A_302 = arith.constant 0 : i32
          %dma_wait3A_303 = arith.constant 0 : i32
          %dma_wait3A_304 = arith.constant 0 : i32
          %dma_wait3A_305 = tpu.memref_slice %arg10[%cond3A_25, %dma_wait3A_303, %dma_wait3A_304] : memref<4x64x128xf32, #tpu.memory_space<vmem>> -> memref<1x64x128xf32, #tpu.memory_space<vmem>>
          %dma_wait3A_306 = tpu.memref_squeeze %dma_wait3A_305 : memref<1x64x128xf32, #tpu.memory_space<vmem>> -> memref<64x128xf32, #tpu.memory_space<vmem>>
          %dma_wait3A_307 = arith.constant 0 : i32
          %dma_wait3A_308 = tpu.memref_slice %arg8[%dma_wait3A_302, %dma_wait3A_307] : memref<64x64xi32, #tpu.memory_space<vmem>> -> memref<1x64xi32, #tpu.memory_space<vmem>>
          %dma_wait3A_309 = tpu.memref_squeeze %dma_wait3A_308 : memref<1x64xi32, #tpu.memory_space<vmem>> -> memref<64xi32, #tpu.memory_space<vmem>>
          %dma_wait3A_310 = arith.constant 0 : i32
          %dma_wait3A_311 = arith.constant 0 : i32
          %dma_wait3A_312 = tpu.memref_slice %arg3[%dma_wait3A_310, %dma_wait3A_311] : memref<10000x128xf32, #tpu.memory_space<hbm>> -> memref<10000x128xf32, #tpu.memory_space<hbm>>
          tpu.wait_indirect_dma semaphore(%arg15 : memref<!tpu.dma_semaphore, #tpu.memory_space<semaphore_mem>>) src(%dma_wait3A_312 : memref<10000x128xf32, #tpu.memory_space<hbm>>) dst(%dma_wait3A_306 : memref<64x128xf32, #tpu.memory_space<vmem>>)
          %dma_start3A_313 = arith.constant 0 : i32
          %dma_start3A_314 = arith.constant 0 : i32
          %dma_start3A_315 = tpu.memref_slice %arg10[%cond3A_25, %dma_start3A_313, %dma_start3A_314] : memref<4x64x128xf32, #tpu.memory_space<vmem>> -> memref<1x64x128xf32, #tpu.memory_space<vmem>>
          %dma_start3A_316 = tpu.memref_squeeze %dma_start3A_315 : memref<1x64x128xf32, #tpu.memory_space<vmem>> -> memref<64x128xf32, #tpu.memory_space<vmem>>
          %dma_start3A_317 = arith.constant 0 : i32
          %dma_start3A_318 = tpu.memref_slice %arg9[%add3A_278, %dma_start3A_317] : memref<64x64xi32, #tpu.memory_space<vmem>> -> memref<1x64xi32, #tpu.memory_space<vmem>>
          %dma_start3A_319 = tpu.memref_squeeze %dma_start3A_318 : memref<1x64xi32, #tpu.memory_space<vmem>> -> memref<64xi32, #tpu.memory_space<vmem>>
          %dma_start3A_320 = arith.constant 0 : i32
          %dma_start3A_321 = arith.constant 0 : i32
          %dma_start3A_322 = tpu.memref_slice %arg11[%dma_start3A_320, %dma_start3A_321] : memref<10240x128xf32, #tpu.memory_space<vmem_shared>> -> memref<10240x128xf32, #tpu.memory_space<vmem_shared>>
          tpu.enqueue_indirect_dma source(%dma_start3A_316 : memref<64x128xf32, #tpu.memory_space<vmem>>) target(%dma_start3A_322 : memref<10240x128xf32, #tpu.memory_space<vmem_shared>>) offsets(%dma_start3A_319 : memref<64xi32, #tpu.memory_space<vmem>>) semaphore(%arg19 : memref<!tpu.dma_semaphore, #tpu.memory_space<semaphore_mem>>) {add = true}
          %add3A_323 = arith.constant 2 : i32
          %add3A_324 = arith.addi %add3A_230, %add3A_323 : i32
          %dma_wait3A_325 = arith.constant 0 : i32
          %dma_wait3A_326 = arith.constant 0 : i32
          %dma_wait3A_327 = arith.constant 0 : i32
          %dma_wait3A_328 = tpu.memref_slice %arg10[%cond3A_24, %dma_wait3A_326, %dma_wait3A_327] : memref<4x64x128xf32, #tpu.memory_space<vmem>> -> memref<1x64x128xf32, #tpu.memory_space<vmem>>
          %dma_wait3A_329 = tpu.memref_squeeze %dma_wait3A_328 : memref<1x64x128xf32, #tpu.memory_space<vmem>> -> memref<64x128xf32, #tpu.memory_space<vmem>>
          %dma_wait3A_330 = arith.constant 0 : i32
          %dma_wait3A_331 = tpu.memref_slice %arg9[%dma_wait3A_325, %dma_wait3A_330] : memref<64x64xi32, #tpu.memory_space<vmem>> -> memref<1x64xi32, #tpu.memory_space<vmem>>
          %dma_wait3A_332 = tpu.memref_squeeze %dma_wait3A_331 : memref<1x64xi32, #tpu.memory_space<vmem>> -> memref<64xi32, #tpu.memory_space<vmem>>
          %dma_wait3A_333 = arith.constant 0 : i32
          %dma_wait3A_334 = arith.constant 0 : i32
          %dma_wait3A_335 = tpu.memref_slice %arg11[%dma_wait3A_333, %dma_wait3A_334] : memref<10240x128xf32, #tpu.memory_space<vmem_shared>> -> memref<10240x128xf32, #tpu.memory_space<vmem_shared>>
          tpu.wait_indirect_dma semaphore(%arg18 : memref<!tpu.dma_semaphore, #tpu.memory_space<semaphore_mem>>) src(%dma_wait3A_329 : memref<64x128xf32, #tpu.memory_space<vmem>>) dst(%dma_wait3A_335 : memref<10240x128xf32, #tpu.memory_space<vmem_shared>>)
          %add3A_336 = arith.constant 2 : i32
          %add3A_337 = arith.addi %add3A_324, %add3A_336 : i32
          %dma_start3A_338 = arith.constant 0 : i32
          %dma_start3A_339 = arith.constant 0 : i32
          %dma_start3A_340 = tpu.memref_slice %arg10[%cond3A_24, %dma_start3A_338, %dma_start3A_339] : memref<4x64x128xf32, #tpu.memory_space<vmem>> -> memref<1x64x128xf32, #tpu.memory_space<vmem>>
          %dma_start3A_341 = tpu.memref_squeeze %dma_start3A_340 : memref<1x64x128xf32, #tpu.memory_space<vmem>> -> memref<64x128xf32, #tpu.memory_space<vmem>>
          %dma_start3A_342 = arith.constant 0 : i32
          %dma_start3A_343 = tpu.memref_slice %arg8[%add3A_337, %dma_start3A_342] : memref<64x64xi32, #tpu.memory_space<vmem>> -> memref<1x64xi32, #tpu.memory_space<vmem>>
          %dma_start3A_344 = tpu.memref_squeeze %dma_start3A_343 : memref<1x64xi32, #tpu.memory_space<vmem>> -> memref<64xi32, #tpu.memory_space<vmem>>
          %dma_start3A_345 = arith.constant 0 : i32
          %dma_start3A_346 = arith.constant 0 : i32
          %dma_start3A_347 = tpu.memref_slice %arg3[%dma_start3A_345, %dma_start3A_346] : memref<10000x128xf32, #tpu.memory_space<hbm>> -> memref<10000x128xf32, #tpu.memory_space<hbm>>
          tpu.enqueue_indirect_dma source(%dma_start3A_347 : memref<10000x128xf32, #tpu.memory_space<hbm>>) target(%dma_start3A_341 : memref<64x128xf32, #tpu.memory_space<vmem>>) offsets(%dma_start3A_344 : memref<64xi32, #tpu.memory_space<vmem>>) semaphore(%arg14 : memref<!tpu.dma_semaphore, #tpu.memory_space<semaphore_mem>>)
          %dma_wait3A_348 = arith.constant 0 : i32
          %dma_wait3A_349 = arith.constant 0 : i32
          %dma_wait3A_350 = arith.constant 0 : i32
          %dma_wait3A_351 = tpu.memref_slice %arg10[%cond3A_22, %dma_wait3A_349, %dma_wait3A_350] : memref<4x64x128xf32, #tpu.memory_space<vmem>> -> memref<1x64x128xf32, #tpu.memory_space<vmem>>
          %dma_wait3A_352 = tpu.memref_squeeze %dma_wait3A_351 : memref<1x64x128xf32, #tpu.memory_space<vmem>> -> memref<64x128xf32, #tpu.memory_space<vmem>>
          %dma_wait3A_353 = arith.constant 0 : i32
          %dma_wait3A_354 = tpu.memref_slice %arg8[%dma_wait3A_348, %dma_wait3A_353] : memref<64x64xi32, #tpu.memory_space<vmem>> -> memref<1x64xi32, #tpu.memory_space<vmem>>
          %dma_wait3A_355 = tpu.memref_squeeze %dma_wait3A_354 : memref<1x64xi32, #tpu.memory_space<vmem>> -> memref<64xi32, #tpu.memory_space<vmem>>
          %dma_wait3A_356 = arith.constant 0 : i32
          %dma_wait3A_357 = arith.constant 0 : i32
          %dma_wait3A_358 = tpu.memref_slice %arg3[%dma_wait3A_356, %dma_wait3A_357] : memref<10000x128xf32, #tpu.memory_space<hbm>> -> memref<10000x128xf32, #tpu.memory_space<hbm>>
          tpu.wait_indirect_dma semaphore(%arg12 : memref<!tpu.dma_semaphore, #tpu.memory_space<semaphore_mem>>) src(%dma_wait3A_358 : memref<10000x128xf32, #tpu.memory_space<hbm>>) dst(%dma_wait3A_352 : memref<64x128xf32, #tpu.memory_space<vmem>>)
          %dma_start3A_359 = arith.constant 0 : i32
          %dma_start3A_360 = arith.constant 0 : i32
          %dma_start3A_361 = tpu.memref_slice %arg10[%cond3A_22, %dma_start3A_359, %dma_start3A_360] : memref<4x64x128xf32, #tpu.memory_space<vmem>> -> memref<1x64x128xf32, #tpu.memory_space<vmem>>
          %dma_start3A_362 = tpu.memref_squeeze %dma_start3A_361 : memref<1x64x128xf32, #tpu.memory_space<vmem>> -> memref<64x128xf32, #tpu.memory_space<vmem>>
          %dma_start3A_363 = arith.constant 0 : i32
          %dma_start3A_364 = tpu.memref_slice %arg9[%add3A_324, %dma_start3A_363] : memref<64x64xi32, #tpu.memory_space<vmem>> -> memref<1x64xi32, #tpu.memory_space<vmem>>
          %dma_start3A_365 = tpu.memref_squeeze %dma_start3A_364 : memref<1x64xi32, #tpu.memory_space<vmem>> -> memref<64xi32, #tpu.memory_space<vmem>>
          %dma_start3A_366 = arith.constant 0 : i32
          %dma_start3A_367 = arith.constant 0 : i32
          %dma_start3A_368 = tpu.memref_slice %arg11[%dma_start3A_366, %dma_start3A_367] : memref<10240x128xf32, #tpu.memory_space<vmem_shared>> -> memref<10240x128xf32, #tpu.memory_space<vmem_shared>>
          tpu.enqueue_indirect_dma source(%dma_start3A_362 : memref<64x128xf32, #tpu.memory_space<vmem>>) target(%dma_start3A_368 : memref<10240x128xf32, #tpu.memory_space<vmem_shared>>) offsets(%dma_start3A_365 : memref<64xi32, #tpu.memory_space<vmem>>) semaphore(%arg16 : memref<!tpu.dma_semaphore, #tpu.memory_space<semaphore_mem>>) {add = true}
          %add3A_369 = arith.constant 3 : i32
          %add3A_370 = arith.addi %add3A_230, %add3A_369 : i32
          %dma_wait3A_371 = arith.constant 0 : i32
          %dma_wait3A_372 = arith.constant 0 : i32
          %dma_wait3A_373 = arith.constant 0 : i32
          %dma_wait3A_374 = tpu.memref_slice %arg10[%cond3A_25, %dma_wait3A_372, %dma_wait3A_373] : memref<4x64x128xf32, #tpu.memory_space<vmem>> -> memref<1x64x128xf32, #tpu.memory_space<vmem>>
          %dma_wait3A_375 = tpu.memref_squeeze %dma_wait3A_374 : memref<1x64x128xf32, #tpu.memory_space<vmem>> -> memref<64x128xf32, #tpu.memory_space<vmem>>
          %dma_wait3A_376 = arith.constant 0 : i32
          %dma_wait3A_377 = tpu.memref_slice %arg9[%dma_wait3A_371, %dma_wait3A_376] : memref<64x64xi32, #tpu.memory_space<vmem>> -> memref<1x64xi32, #tpu.memory_space<vmem>>
          %dma_wait3A_378 = tpu.memref_squeeze %dma_wait3A_377 : memref<1x64xi32, #tpu.memory_space<vmem>> -> memref<64xi32, #tpu.memory_space<vmem>>
          %dma_wait3A_379 = arith.constant 0 : i32
          %dma_wait3A_380 = arith.constant 0 : i32
          %dma_wait3A_381 = tpu.memref_slice %arg11[%dma_wait3A_379, %dma_wait3A_380] : memref<10240x128xf32, #tpu.memory_space<vmem_shared>> -> memref<10240x128xf32, #tpu.memory_space<vmem_shared>>
          tpu.wait_indirect_dma semaphore(%arg19 : memref<!tpu.dma_semaphore, #tpu.memory_space<semaphore_mem>>) src(%dma_wait3A_375 : memref<64x128xf32, #tpu.memory_space<vmem>>) dst(%dma_wait3A_381 : memref<10240x128xf32, #tpu.memory_space<vmem_shared>>)
          %add3A_382 = arith.constant 2 : i32
          %add3A_383 = arith.addi %add3A_370, %add3A_382 : i32
          %dma_start3A_384 = arith.constant 0 : i32
          %dma_start3A_385 = arith.constant 0 : i32
          %dma_start3A_386 = tpu.memref_slice %arg10[%cond3A_25, %dma_start3A_384, %dma_start3A_385] : memref<4x64x128xf32, #tpu.memory_space<vmem>> -> memref<1x64x128xf32, #tpu.memory_space<vmem>>
          %dma_start3A_387 = tpu.memref_squeeze %dma_start3A_386 : memref<1x64x128xf32, #tpu.memory_space<vmem>> -> memref<64x128xf32, #tpu.memory_space<vmem>>
          %dma_start3A_388 = arith.constant 0 : i32
          %dma_start3A_389 = tpu.memref_slice %arg8[%add3A_383, %dma_start3A_388] : memref<64x64xi32, #tpu.memory_space<vmem>> -> memref<1x64xi32, #tpu.memory_space<vmem>>
          %dma_start3A_390 = tpu.memref_squeeze %dma_start3A_389 : memref<1x64xi32, #tpu.memory_space<vmem>> -> memref<64xi32, #tpu.memory_space<vmem>>
          %dma_start3A_391 = arith.constant 0 : i32
          %dma_start3A_392 = arith.constant 0 : i32
          %dma_start3A_393 = tpu.memref_slice %arg3[%dma_start3A_391, %dma_start3A_392] : memref<10000x128xf32, #tpu.memory_space<hbm>> -> memref<10000x128xf32, #tpu.memory_space<hbm>>
          tpu.enqueue_indirect_dma source(%dma_start3A_393 : memref<10000x128xf32, #tpu.memory_space<hbm>>) target(%dma_start3A_387 : memref<64x128xf32, #tpu.memory_space<vmem>>) offsets(%dma_start3A_390 : memref<64xi32, #tpu.memory_space<vmem>>) semaphore(%arg15 : memref<!tpu.dma_semaphore, #tpu.memory_space<semaphore_mem>>)
          %dma_wait3A_394 = arith.constant 0 : i32
          %dma_wait3A_395 = arith.constant 0 : i32
          %dma_wait3A_396 = arith.constant 0 : i32
          %dma_wait3A_397 = tpu.memref_slice %arg10[%cond3A_23, %dma_wait3A_395, %dma_wait3A_396] : memref<4x64x128xf32, #tpu.memory_space<vmem>> -> memref<1x64x128xf32, #tpu.memory_space<vmem>>
          %dma_wait3A_398 = tpu.memref_squeeze %dma_wait3A_397 : memref<1x64x128xf32, #tpu.memory_space<vmem>> -> memref<64x128xf32, #tpu.memory_space<vmem>>
          %dma_wait3A_399 = arith.constant 0 : i32
          %dma_wait3A_400 = tpu.memref_slice %arg8[%dma_wait3A_394, %dma_wait3A_399] : memref<64x64xi32, #tpu.memory_space<vmem>> -> memref<1x64xi32, #tpu.memory_space<vmem>>
          %dma_wait3A_401 = tpu.memref_squeeze %dma_wait3A_400 : memref<1x64xi32, #tpu.memory_space<vmem>> -> memref<64xi32, #tpu.memory_space<vmem>>
          %dma_wait3A_402 = arith.constant 0 : i32
          %dma_wait3A_403 = arith.constant 0 : i32
          %dma_wait3A_404 = tpu.memref_slice %arg3[%dma_wait3A_402, %dma_wait3A_403] : memref<10000x128xf32, #tpu.memory_space<hbm>> -> memref<10000x128xf32, #tpu.memory_space<hbm>>
          tpu.wait_indirect_dma semaphore(%arg13 : memref<!tpu.dma_semaphore, #tpu.memory_space<semaphore_mem>>) src(%dma_wait3A_404 : memref<10000x128xf32, #tpu.memory_space<hbm>>) dst(%dma_wait3A_398 : memref<64x128xf32, #tpu.memory_space<vmem>>)
          %dma_start3A_405 = arith.constant 0 : i32
          %dma_start3A_406 = arith.constant 0 : i32
          %dma_start3A_407 = tpu.memref_slice %arg10[%cond3A_23, %dma_start3A_405, %dma_start3A_406] : memref<4x64x128xf32, #tpu.memory_space<vmem>> -> memref<1x64x128xf32, #tpu.memory_space<vmem>>
          %dma_start3A_408 = tpu.memref_squeeze %dma_start3A_407 : memref<1x64x128xf32, #tpu.memory_space<vmem>> -> memref<64x128xf32, #tpu.memory_space<vmem>>
          %dma_start3A_409 = arith.constant 0 : i32
          %dma_start3A_410 = tpu.memref_slice %arg9[%add3A_370, %dma_start3A_409] : memref<64x64xi32, #tpu.memory_space<vmem>> -> memref<1x64xi32, #tpu.memory_space<vmem>>
          %dma_start3A_411 = tpu.memref_squeeze %dma_start3A_410 : memref<1x64xi32, #tpu.memory_space<vmem>> -> memref<64xi32, #tpu.memory_space<vmem>>
          %dma_start3A_412 = arith.constant 0 : i32
          %dma_start3A_413 = arith.constant 0 : i32
          %dma_start3A_414 = tpu.memref_slice %arg11[%dma_start3A_412, %dma_start3A_413] : memref<10240x128xf32, #tpu.memory_space<vmem_shared>> -> memref<10240x128xf32, #tpu.memory_space<vmem_shared>>
          tpu.enqueue_indirect_dma source(%dma_start3A_408 : memref<64x128xf32, #tpu.memory_space<vmem>>) target(%dma_start3A_414 : memref<10240x128xf32, #tpu.memory_space<vmem_shared>>) offsets(%dma_start3A_411 : memref<64xi32, #tpu.memory_space<vmem>>) semaphore(%arg17 : memref<!tpu.dma_semaphore, #tpu.memory_space<semaphore_mem>>) {add = true}
        }
        %scan3A_138 = arith.constant 15 : i32
        %dma_wait3A_139 = arith.constant 0 : i32
        %dma_wait3A_140 = arith.constant 0 : i32
        %dma_wait3A_141 = arith.constant 0 : i32
        %dma_wait3A_142 = tpu.memref_slice %arg10[%cond3A_24, %dma_wait3A_140, %dma_wait3A_141] : memref<4x64x128xf32, #tpu.memory_space<vmem>> -> memref<1x64x128xf32, #tpu.memory_space<vmem>>
        %dma_wait3A_143 = tpu.memref_squeeze %dma_wait3A_142 : memref<1x64x128xf32, #tpu.memory_space<vmem>> -> memref<64x128xf32, #tpu.memory_space<vmem>>
        %dma_wait3A_144 = arith.constant 0 : i32
        %dma_wait3A_145 = tpu.memref_slice %arg8[%dma_wait3A_139, %dma_wait3A_144] : memref<64x64xi32, #tpu.memory_space<vmem>> -> memref<1x64xi32, #tpu.memory_space<vmem>>
        %dma_wait3A_146 = tpu.memref_squeeze %dma_wait3A_145 : memref<1x64xi32, #tpu.memory_space<vmem>> -> memref<64xi32, #tpu.memory_space<vmem>>
        %dma_wait3A_147 = arith.constant 0 : i32
        %dma_wait3A_148 = arith.constant 0 : i32
        %dma_wait3A_149 = tpu.memref_slice %arg3[%dma_wait3A_147, %dma_wait3A_148] : memref<10000x128xf32, #tpu.memory_space<hbm>> -> memref<10000x128xf32, #tpu.memory_space<hbm>>
        tpu.wait_indirect_dma semaphore(%arg14 : memref<!tpu.dma_semaphore, #tpu.memory_space<semaphore_mem>>) src(%dma_wait3A_149 : memref<10000x128xf32, #tpu.memory_space<hbm>>) dst(%dma_wait3A_143 : memref<64x128xf32, #tpu.memory_space<vmem>>)
        %dma_start3A_150 = arith.constant 62 : i32
        %dma_start3A_151 = arith.constant 0 : i32
        %dma_start3A_152 = arith.constant 0 : i32
        %dma_start3A_153 = tpu.memref_slice %arg10[%cond3A_24, %dma_start3A_151, %dma_start3A_152] : memref<4x64x128xf32, #tpu.memory_space<vmem>> -> memref<1x64x128xf32, #tpu.memory_space<vmem>>
        %dma_start3A_154 = tpu.memref_squeeze %dma_start3A_153 : memref<1x64x128xf32, #tpu.memory_space<vmem>> -> memref<64x128xf32, #tpu.memory_space<vmem>>
        %dma_start3A_155 = arith.constant 0 : i32
        %dma_start3A_156 = tpu.memref_slice %arg9[%dma_start3A_150, %dma_start3A_155] : memref<64x64xi32, #tpu.memory_space<vmem>> -> memref<1x64xi32, #tpu.memory_space<vmem>>
        %dma_start3A_157 = tpu.memref_squeeze %dma_start3A_156 : memref<1x64xi32, #tpu.memory_space<vmem>> -> memref<64xi32, #tpu.memory_space<vmem>>
        %dma_start3A_158 = arith.constant 0 : i32
        %dma_start3A_159 = arith.constant 0 : i32
        %dma_start3A_160 = tpu.memref_slice %arg11[%dma_start3A_158, %dma_start3A_159] : memref<10240x128xf32, #tpu.memory_space<vmem_shared>> -> memref<10240x128xf32, #tpu.memory_space<vmem_shared>>
        tpu.enqueue_indirect_dma source(%dma_start3A_154 : memref<64x128xf32, #tpu.memory_space<vmem>>) target(%dma_start3A_160 : memref<10240x128xf32, #tpu.memory_space<vmem_shared>>) offsets(%dma_start3A_157 : memref<64xi32, #tpu.memory_space<vmem>>) semaphore(%arg18 : memref<!tpu.dma_semaphore, #tpu.memory_space<semaphore_mem>>) {add = true}
        %dma_wait3A_161 = arith.constant 0 : i32
        %dma_wait3A_162 = arith.constant 0 : i32
        %dma_wait3A_163 = arith.constant 0 : i32
        %dma_wait3A_164 = tpu.memref_slice %arg10[%cond3A_25, %dma_wait3A_162, %dma_wait3A_163] : memref<4x64x128xf32, #tpu.memory_space<vmem>> -> memref<1x64x128xf32, #tpu.memory_space<vmem>>
        %dma_wait3A_165 = tpu.memref_squeeze %dma_wait3A_164 : memref<1x64x128xf32, #tpu.memory_space<vmem>> -> memref<64x128xf32, #tpu.memory_space<vmem>>
        %dma_wait3A_166 = arith.constant 0 : i32
        %dma_wait3A_167 = tpu.memref_slice %arg8[%dma_wait3A_161, %dma_wait3A_166] : memref<64x64xi32, #tpu.memory_space<vmem>> -> memref<1x64xi32, #tpu.memory_space<vmem>>
        %dma_wait3A_168 = tpu.memref_squeeze %dma_wait3A_167 : memref<1x64xi32, #tpu.memory_space<vmem>> -> memref<64xi32, #tpu.memory_space<vmem>>
        %dma_wait3A_169 = arith.constant 0 : i32
        %dma_wait3A_170 = arith.constant 0 : i32
        %dma_wait3A_171 = tpu.memref_slice %arg3[%dma_wait3A_169, %dma_wait3A_170] : memref<10000x128xf32, #tpu.memory_space<hbm>> -> memref<10000x128xf32, #tpu.memory_space<hbm>>
        tpu.wait_indirect_dma semaphore(%arg15 : memref<!tpu.dma_semaphore, #tpu.memory_space<semaphore_mem>>) src(%dma_wait3A_171 : memref<10000x128xf32, #tpu.memory_space<hbm>>) dst(%dma_wait3A_165 : memref<64x128xf32, #tpu.memory_space<vmem>>)
        %dma_start3A_172 = arith.constant 63 : i32
        %dma_start3A_173 = arith.constant 0 : i32
        %dma_start3A_174 = arith.constant 0 : i32
        %dma_start3A_175 = tpu.memref_slice %arg10[%cond3A_25, %dma_start3A_173, %dma_start3A_174] : memref<4x64x128xf32, #tpu.memory_space<vmem>> -> memref<1x64x128xf32, #tpu.memory_space<vmem>>
        %dma_start3A_176 = tpu.memref_squeeze %dma_start3A_175 : memref<1x64x128xf32, #tpu.memory_space<vmem>> -> memref<64x128xf32, #tpu.memory_space<vmem>>
        %dma_start3A_177 = arith.constant 0 : i32
        %dma_start3A_178 = tpu.memref_slice %arg9[%dma_start3A_172, %dma_start3A_177] : memref<64x64xi32, #tpu.memory_space<vmem>> -> memref<1x64xi32, #tpu.memory_space<vmem>>
        %dma_start3A_179 = tpu.memref_squeeze %dma_start3A_178 : memref<1x64xi32, #tpu.memory_space<vmem>> -> memref<64xi32, #tpu.memory_space<vmem>>
        %dma_start3A_180 = arith.constant 0 : i32
        %dma_start3A_181 = arith.constant 0 : i32
        %dma_start3A_182 = tpu.memref_slice %arg11[%dma_start3A_180, %dma_start3A_181] : memref<10240x128xf32, #tpu.memory_space<vmem_shared>> -> memref<10240x128xf32, #tpu.memory_space<vmem_shared>>
        tpu.enqueue_indirect_dma source(%dma_start3A_176 : memref<64x128xf32, #tpu.memory_space<vmem>>) target(%dma_start3A_182 : memref<10240x128xf32, #tpu.memory_space<vmem_shared>>) offsets(%dma_start3A_179 : memref<64xi32, #tpu.memory_space<vmem>>) semaphore(%arg19 : memref<!tpu.dma_semaphore, #tpu.memory_space<semaphore_mem>>) {add = true}
        %dma_wait3A_183 = arith.constant 0 : i32
        %dma_wait3A_184 = arith.constant 0 : i32
        %dma_wait3A_185 = arith.constant 0 : i32
        %dma_wait3A_186 = tpu.memref_slice %arg10[%cond3A_22, %dma_wait3A_184, %dma_wait3A_185] : memref<4x64x128xf32, #tpu.memory_space<vmem>> -> memref<1x64x128xf32, #tpu.memory_space<vmem>>
        %dma_wait3A_187 = tpu.memref_squeeze %dma_wait3A_186 : memref<1x64x128xf32, #tpu.memory_space<vmem>> -> memref<64x128xf32, #tpu.memory_space<vmem>>
        %dma_wait3A_188 = arith.constant 0 : i32
        %dma_wait3A_189 = tpu.memref_slice %arg9[%dma_wait3A_183, %dma_wait3A_188] : memref<64x64xi32, #tpu.memory_space<vmem>> -> memref<1x64xi32, #tpu.memory_space<vmem>>
        %dma_wait3A_190 = tpu.memref_squeeze %dma_wait3A_189 : memref<1x64xi32, #tpu.memory_space<vmem>> -> memref<64xi32, #tpu.memory_space<vmem>>
        %dma_wait3A_191 = arith.constant 0 : i32
        %dma_wait3A_192 = arith.constant 0 : i32
        %dma_wait3A_193 = tpu.memref_slice %arg11[%dma_wait3A_191, %dma_wait3A_192] : memref<10240x128xf32, #tpu.memory_space<vmem_shared>> -> memref<10240x128xf32, #tpu.memory_space<vmem_shared>>
        tpu.wait_indirect_dma semaphore(%arg16 : memref<!tpu.dma_semaphore, #tpu.memory_space<semaphore_mem>>) src(%dma_wait3A_187 : memref<64x128xf32, #tpu.memory_space<vmem>>) dst(%dma_wait3A_193 : memref<10240x128xf32, #tpu.memory_space<vmem_shared>>)
        %dma_wait3A_194 = arith.constant 0 : i32
        %dma_wait3A_195 = arith.constant 0 : i32
        %dma_wait3A_196 = arith.constant 0 : i32
        %dma_wait3A_197 = tpu.memref_slice %arg10[%cond3A_23, %dma_wait3A_195, %dma_wait3A_196] : memref<4x64x128xf32, #tpu.memory_space<vmem>> -> memref<1x64x128xf32, #tpu.memory_space<vmem>>
        %dma_wait3A_198 = tpu.memref_squeeze %dma_wait3A_197 : memref<1x64x128xf32, #tpu.memory_space<vmem>> -> memref<64x128xf32, #tpu.memory_space<vmem>>
        %dma_wait3A_199 = arith.constant 0 : i32
        %dma_wait3A_200 = tpu.memref_slice %arg9[%dma_wait3A_194, %dma_wait3A_199] : memref<64x64xi32, #tpu.memory_space<vmem>> -> memref<1x64xi32, #tpu.memory_space<vmem>>
        %dma_wait3A_201 = tpu.memref_squeeze %dma_wait3A_200 : memref<1x64xi32, #tpu.memory_space<vmem>> -> memref<64xi32, #tpu.memory_space<vmem>>
        %dma_wait3A_202 = arith.constant 0 : i32
        %dma_wait3A_203 = arith.constant 0 : i32
        %dma_wait3A_204 = tpu.memref_slice %arg11[%dma_wait3A_202, %dma_wait3A_203] : memref<10240x128xf32, #tpu.memory_space<vmem_shared>> -> memref<10240x128xf32, #tpu.memory_space<vmem_shared>>
        tpu.wait_indirect_dma semaphore(%arg17 : memref<!tpu.dma_semaphore, #tpu.memory_space<semaphore_mem>>) src(%dma_wait3A_198 : memref<64x128xf32, #tpu.memory_space<vmem>>) dst(%dma_wait3A_204 : memref<10240x128xf32, #tpu.memory_space<vmem_shared>>)
        %dma_wait3A_205 = arith.constant 0 : i32
        %dma_wait3A_206 = arith.constant 0 : i32
        %dma_wait3A_207 = arith.constant 0 : i32
        %dma_wait3A_208 = tpu.memref_slice %arg10[%cond3A_24, %dma_wait3A_206, %dma_wait3A_207] : memref<4x64x128xf32, #tpu.memory_space<vmem>> -> memref<1x64x128xf32, #tpu.memory_space<vmem>>
        %dma_wait3A_209 = tpu.memref_squeeze %dma_wait3A_208 : memref<1x64x128xf32, #tpu.memory_space<vmem>> -> memref<64x128xf32, #tpu.memory_space<vmem>>
        %dma_wait3A_210 = arith.constant 0 : i32
        %dma_wait3A_211 = tpu.memref_slice %arg9[%dma_wait3A_205, %dma_wait3A_210] : memref<64x64xi32, #tpu.memory_space<vmem>> -> memref<1x64xi32, #tpu.memory_space<vmem>>
        %dma_wait3A_212 = tpu.memref_squeeze %dma_wait3A_211 : memref<1x64xi32, #tpu.memory_space<vmem>> -> memref<64xi32, #tpu.memory_space<vmem>>
        %dma_wait3A_213 = arith.constant 0 : i32
        %dma_wait3A_214 = arith.constant 0 : i32
        %dma_wait3A_215 = tpu.memref_slice %arg11[%dma_wait3A_213, %dma_wait3A_214] : memref<10240x128xf32, #tpu.memory_space<vmem_shared>> -> memref<10240x128xf32, #tpu.memory_space<vmem_shared>>
        tpu.wait_indirect_dma semaphore(%arg18 : memref<!tpu.dma_semaphore, #tpu.memory_space<semaphore_mem>>) src(%dma_wait3A_209 : memref<64x128xf32, #tpu.memory_space<vmem>>) dst(%dma_wait3A_215 : memref<10240x128xf32, #tpu.memory_space<vmem_shared>>)
        %dma_wait3A_216 = arith.constant 0 : i32
        %dma_wait3A_217 = arith.constant 0 : i32
        %dma_wait3A_218 = arith.constant 0 : i32
        %dma_wait3A_219 = tpu.memref_slice %arg10[%cond3A_25, %dma_wait3A_217, %dma_wait3A_218] : memref<4x64x128xf32, #tpu.memory_space<vmem>> -> memref<1x64x128xf32, #tpu.memory_space<vmem>>
        %dma_wait3A_220 = tpu.memref_squeeze %dma_wait3A_219 : memref<1x64x128xf32, #tpu.memory_space<vmem>> -> memref<64x128xf32, #tpu.memory_space<vmem>>
        %dma_wait3A_221 = arith.constant 0 : i32
        %dma_wait3A_222 = tpu.memref_slice %arg9[%dma_wait3A_216, %dma_wait3A_221] : memref<64x64xi32, #tpu.memory_space<vmem>> -> memref<1x64xi32, #tpu.memory_space<vmem>>
        %dma_wait3A_223 = tpu.memref_squeeze %dma_wait3A_222 : memref<1x64xi32, #tpu.memory_space<vmem>> -> memref<64xi32, #tpu.memory_space<vmem>>
        %dma_wait3A_224 = arith.constant 0 : i32
        %dma_wait3A_225 = arith.constant 0 : i32
        %dma_wait3A_226 = tpu.memref_slice %arg11[%dma_wait3A_224, %dma_wait3A_225] : memref<10240x128xf32, #tpu.memory_space<vmem_shared>> -> memref<10240x128xf32, #tpu.memory_space<vmem_shared>>
        tpu.wait_indirect_dma semaphore(%arg19 : memref<!tpu.dma_semaphore, #tpu.memory_space<semaphore_mem>>) src(%dma_wait3A_220 : memref<64x128xf32, #tpu.memory_space<vmem>>) dst(%dma_wait3A_226 : memref<10240x128xf32, #tpu.memory_space<vmem_shared>>)
      }
      %scan3A_45 = arith.constant 5 : i32
    } else {
    }
    %barrier3A_28 = arith.constant 0 : index
    tpu.barrier barrier_id(%barrier3A_28)
    %mul3A = arith.constant 640 : i32
    %mul3A_29 = arith.muli %arg1, %mul3A : i32
    %eq3A_30 = arith.constant 0 : i32
    %eq3A_31 = arith.cmpi eq, %arg0, %eq3A_30 : i32
    %convert_element_type3A_32 = arith.extui %eq3A_31 : i1 to i32
    %cond3A_33 = arith.constant 0 : i32
    %cond3A_34 = arith.cmpi ne, %convert_element_type3A_32, %cond3A_33 : i32
    scf.if %cond3A_34 {
      "tpu.region"() ({
        %run_scoped3A = tpu.sem_alloc : memref<!tpu.dma_semaphore, #tpu.memory_space<semaphore_mem>>
        %dma_start3A = arith.constant 0 : i32
        %dma_start3A_40 = tpu.memref_slice %arg6[%mul3A_29, %dma_start3A] : memref<10240x128xf32, #tpu.memory_space<hbm>> -> memref<640x128xf32, #tpu.memory_space<hbm>>
        %dma_start3A_41 = arith.constant 0 : i32
        %dma_start3A_42 = tpu.memref_slice %arg11[%mul3A_29, %dma_start3A_41] : memref<10240x128xf32, #tpu.memory_space<vmem_shared>> -> memref<640x128xf32, #tpu.memory_space<vmem_shared>>
        tpu.enqueue_dma source(%dma_start3A_42 : memref<640x128xf32, #tpu.memory_space<vmem_shared>>) target(%dma_start3A_40 : memref<640x128xf32, #tpu.memory_space<hbm>>) target_semaphore(%run_scoped3A : memref<!tpu.dma_semaphore, #tpu.memory_space<semaphore_mem>>)
        %dma_wait3A = arith.constant 0 : i32
        %dma_wait3A_43 = tpu.memref_slice %arg6[%mul3A_29, %dma_wait3A] : memref<10240x128xf32, #tpu.memory_space<hbm>> -> memref<640x128xf32, #tpu.memory_space<hbm>>
        %dma_wait3A_44 = arith.constant 0 : i32
        %dma_wait3A_45 = tpu.memref_slice %arg11[%mul3A_29, %dma_wait3A_44] : memref<10240x128xf32, #tpu.memory_space<vmem_shared>> -> memref<640x128xf32, #tpu.memory_space<vmem_shared>>
        tpu.wait_dma2 semaphore(%run_scoped3A : memref<!tpu.dma_semaphore, #tpu.memory_space<semaphore_mem>>) src(%dma_wait3A_45 : memref<640x128xf32, #tpu.memory_space<vmem_shared>>) dst(%dma_wait3A_43 : memref<640x128xf32, #tpu.memory_space<hbm>>)
        tpu.yield
      }) : () -> ()
    } else {
    }
    %eq3A_35 = arith.constant 1 : i32
    %eq3A_36 = arith.cmpi eq, %arg0, %eq3A_35 : i32
    %convert_element_type3A_37 = arith.extui %eq3A_36 : i1 to i32
    %cond3A_38 = arith.constant 0 : i32
    %cond3A_39 = arith.cmpi ne, %convert_element_type3A_37, %cond3A_38 : i32
    scf.if %cond3A_39 {
      "tpu.region"() ({
        %run_scoped3A = tpu.sem_alloc : memref<!tpu.dma_semaphore, #tpu.memory_space<semaphore_mem>>
        %dma_start3A = arith.constant 0 : i32
        %dma_start3A_40 = tpu.memref_slice %arg7[%mul3A_29, %dma_start3A] : memref<10240x128xf32, #tpu.memory_space<hbm>> -> memref<640x128xf32, #tpu.memory_space<hbm>>
        %dma_start3A_41 = arith.constant 0 : i32
        %dma_start3A_42 = tpu.memref_slice %arg11[%mul3A_29, %dma_start3A_41] : memref<10240x128xf32, #tpu.memory_space<vmem_shared>> -> memref<640x128xf32, #tpu.memory_space<vmem_shared>>
        tpu.enqueue_dma source(%dma_start3A_42 : memref<640x128xf32, #tpu.memory_space<vmem_shared>>) target(%dma_start3A_40 : memref<640x128xf32, #tpu.memory_space<hbm>>) target_semaphore(%run_scoped3A : memref<!tpu.dma_semaphore, #tpu.memory_space<semaphore_mem>>)
        %dma_wait3A = arith.constant 0 : i32
        %dma_wait3A_43 = tpu.memref_slice %arg7[%mul3A_29, %dma_wait3A] : memref<10240x128xf32, #tpu.memory_space<hbm>> -> memref<640x128xf32, #tpu.memory_space<hbm>>
        %dma_wait3A_44 = arith.constant 0 : i32
        %dma_wait3A_45 = tpu.memref_slice %arg11[%mul3A_29, %dma_wait3A_44] : memref<10240x128xf32, #tpu.memory_space<vmem_shared>> -> memref<640x128xf32, #tpu.memory_space<vmem_shared>>
        tpu.wait_dma2 semaphore(%run_scoped3A : memref<!tpu.dma_semaphore, #tpu.memory_space<semaphore_mem>>) src(%dma_wait3A_45 : memref<640x128xf32, #tpu.memory_space<vmem_shared>>) dst(%dma_wait3A_43 : memref<640x128xf32, #tpu.memory_space<hbm>>)
        tpu.yield
      }) : () -> ()
    } else {
    }
    return
  }
}

module attributes {stable_mosaic.version = 14 : i64} {
  func.func @_gates_body(%arg0: i32, %arg1: memref<400x128xf32, #tpu.memory_space<vmem>>, %arg2: memref<400x128xf32, #tpu.memory_space<vmem>>, %arg3: memref<128x128xf32, #tpu.memory_space<vmem>>, %arg4: memref<1x128xf32, #tpu.memory_space<vmem>>, %arg5: memref<384x128xf32, #tpu.memory_space<vmem>>, %arg6: memref<1x384xf32, #tpu.memory_space<vmem>>, %arg7: memref<400x128xf32, #tpu.memory_space<vmem>>, %arg8: memref<400x128xf32, #tpu.memory_space<vmem>>) attributes {dimension_semantics = [#tpu.dimension_semantics<arbitrary>], iteration_bounds = array<i64: 25>, scalar_prefetch = 0 : i64, scratch_operands = 0 : i64, tpu.core_type = #tpu.core_type<tc>, window_params = [{transform_indices = @transform_0, window_bounds = array<i64: 400, 128>}, {transform_indices = @transform_1, window_bounds = array<i64: 400, 128>}, {pipeline_mode = #tpu.pipeline_mode<synchronous>, transform_indices = @transform_2, window_bounds = array<i64: 128, 128>}, {pipeline_mode = #tpu.pipeline_mode<synchronous>, transform_indices = @transform_3, window_bounds = array<i64: 1, 128>}, {pipeline_mode = #tpu.pipeline_mode<synchronous>, transform_indices = @transform_4, window_bounds = array<i64: 384, 128>}, {pipeline_mode = #tpu.pipeline_mode<synchronous>, transform_indices = @transform_5, window_bounds = array<i64: 1, 384>}, {transform_indices = @transform_6, window_bounds = array<i64: 400, 128>}, {transform_indices = @transform_7, window_bounds = array<i64: 400, 128>}]} {
    %get3A = arith.constant 0 : index
    %get3A_0 = arith.constant 0 : index
    %get3A_1 = vector.load %arg1[%get3A, %get3A_0] : memref<400x128xf32, #tpu.memory_space<vmem>>, vector<400x128xf32>
    %get3A_2 = arith.constant 0 : index
    %get3A_3 = arith.constant 0 : index
    %get3A_4 = vector.load %arg3[%get3A_2, %get3A_3] : memref<128x128xf32, #tpu.memory_space<vmem>>, vector<128x128xf32>
    %dot_general3A = arith.constant dense<0.000000e+00> : vector<400x128xf32>
    %dot_general3A_5 = tpu.matmul %get3A_1, %get3A_4, %dot_general3A {dimension_numbers = #tpu.dot_dimension_numbers<[1], [1], [0], [0], [0, 0, 1, 0], [], []>, transpose_lhs_hint = false} : vector<400x128xf32>, vector<128x128xf32>, vector<400x128xf32> -> vector<400x128xf32>
    %get3A_6 = arith.constant 0 : index
    %get3A_7 = arith.constant 0 : index
    %get3A_8 = vector.load %arg4[%get3A_6, %get3A_7] : memref<1x128xf32, #tpu.memory_space<vmem>>, vector<1x128xf32>
    %add3A = vector.broadcast %get3A_8 : vector<1x128xf32> to vector<400x128xf32>
    %add3A_9 = arith.addf %dot_general3A_5, %add3A : vector<400x128xf32>
    %logistic3A = arith.negf %add3A_9 : vector<400x128xf32>
    %logistic3A_10 = math.exp %logistic3A : vector<400x128xf32>
    %logistic3A_11 = arith.constant 1.000000e+00 : f32
    %logistic3A_12 = vector.broadcast %logistic3A_11 : f32 to vector<400x128xf32>
    %logistic3A_13 = arith.addf %logistic3A_12, %logistic3A_10 : vector<400x128xf32>
    %logistic3A_14 = arith.divf %logistic3A_12, %logistic3A_13 : vector<400x128xf32>
    %get3A_15 = arith.constant 0 : index
    %get3A_16 = arith.constant 0 : index
    %get3A_17 = vector.load %arg2[%get3A_15, %get3A_16] : memref<400x128xf32, #tpu.memory_space<vmem>>, vector<400x128xf32>
    %mul3A = arith.mulf %logistic3A_14, %get3A_17 : vector<400x128xf32>
    %get3A_18 = arith.constant 0 : index
    %get3A_19 = arith.constant 0 : index
    %get3A_20 = vector.load %arg5[%get3A_18, %get3A_19] : memref<384x128xf32, #tpu.memory_space<vmem>>, vector<384x128xf32>
    %dot_general3A_21 = arith.constant dense<0.000000e+00> : vector<400x384xf32>
    %dot_general3A_22 = tpu.matmul %get3A_1, %get3A_20, %dot_general3A_21 {dimension_numbers = #tpu.dot_dimension_numbers<[1], [1], [0], [0], [0, 0, 1, 0], [], []>, transpose_lhs_hint = false} : vector<400x128xf32>, vector<384x128xf32>, vector<400x384xf32> -> vector<400x384xf32>
    %get3A_23 = arith.constant 0 : index
    %get3A_24 = arith.constant 0 : index
    %get3A_25 = vector.load %arg6[%get3A_23, %get3A_24] : memref<1x384xf32, #tpu.memory_space<vmem>>, vector<1x384xf32>
    %add3A_26 = vector.broadcast %get3A_25 : vector<1x384xf32> to vector<400x384xf32>
    %add3A_27 = arith.addf %dot_general3A_22, %add3A_26 : vector<400x384xf32>
    %slice3A = vector.extract_strided_slice %add3A_27 {offsets = [0, 0], sizes = [400, 128], strides = [1, 1]} : vector<400x384xf32> to vector<400x128xf32>
    %logistic3A_28 = arith.negf %slice3A : vector<400x128xf32>
    %logistic3A_29 = math.exp %logistic3A_28 : vector<400x128xf32>
    %logistic3A_30 = arith.constant 1.000000e+00 : f32
    %logistic3A_31 = vector.broadcast %logistic3A_30 : f32 to vector<400x128xf32>
    %logistic3A_32 = arith.addf %logistic3A_31, %logistic3A_29 : vector<400x128xf32>
    %logistic3A_33 = arith.divf %logistic3A_31, %logistic3A_32 : vector<400x128xf32>
    %slice3A_34 = vector.extract_strided_slice %add3A_27 {offsets = [0, 128], sizes = [400, 128], strides = [1, 1]} : vector<400x384xf32> to vector<400x128xf32>
    %logistic3A_35 = arith.negf %slice3A_34 : vector<400x128xf32>
    %logistic3A_36 = math.exp %logistic3A_35 : vector<400x128xf32>
    %logistic3A_37 = arith.constant 1.000000e+00 : f32
    %logistic3A_38 = vector.broadcast %logistic3A_37 : f32 to vector<400x128xf32>
    %logistic3A_39 = arith.addf %logistic3A_38, %logistic3A_36 : vector<400x128xf32>
    %logistic3A_40 = arith.divf %logistic3A_38, %logistic3A_39 : vector<400x128xf32>
    %slice3A_41 = vector.extract_strided_slice %add3A_27 {offsets = [0, 256], sizes = [400, 128], strides = [1, 1]} : vector<400x384xf32> to vector<400x128xf32>
    %tanh3A = math.tanh %slice3A_41 : vector<400x128xf32>
    %mul3A_42 = arith.mulf %logistic3A_33, %tanh3A : vector<400x128xf32>
    %add3A_43 = arith.addf %mul3A_42, %mul3A : vector<400x128xf32>
    %swap3A = arith.constant 0 : index
    %swap3A_44 = arith.constant 0 : index
    %swap3A_45 = vector.load %arg8[%swap3A, %swap3A_44] : memref<400x128xf32, #tpu.memory_space<vmem>>, vector<400x128xf32>
    tpu.vector_store %arg8[%swap3A, %swap3A_44], %add3A_43 {strides = array<i32>} : memref<400x128xf32, #tpu.memory_space<vmem>>, vector<400x128xf32>,
    %tanh3A_46 = math.tanh %add3A_43 : vector<400x128xf32>
    %mul3A_47 = arith.mulf %logistic3A_40, %tanh3A_46 : vector<400x128xf32>
    %swap3A_48 = arith.constant 0 : index
    %swap3A_49 = arith.constant 0 : index
    %swap3A_50 = vector.load %arg7[%swap3A_48, %swap3A_49] : memref<400x128xf32, #tpu.memory_space<vmem>>, vector<400x128xf32>
    tpu.vector_store %arg7[%swap3A_48, %swap3A_49], %mul3A_47 {strides = array<i32>} : memref<400x128xf32, #tpu.memory_space<vmem>>, vector<400x128xf32>,
    return
  }
  func.func @transform_0(%arg0: i32) -> (i32, i32) {
    %c0_i32 = arith.constant 0 : i32
    %c0_i32_0 = arith.constant 0 : i32
    return %arg0, %c0_i32 : i32, i32
  }
  func.func @transform_1(%arg0: i32) -> (i32, i32) {
    %c0_i32 = arith.constant 0 : i32
    %c0_i32_0 = arith.constant 0 : i32
    return %arg0, %c0_i32 : i32, i32
  }
  func.func @transform_2(%arg0: i32) -> (i32, i32) {
    %c0_i32 = arith.constant 0 : i32
    %c0_i32_0 = arith.constant 0 : i32
    %c0_i32_1 = arith.constant 0 : i32
    return %c0_i32, %c0_i32_0 : i32, i32
  }
  func.func @transform_3(%arg0: i32) -> (i32, i32) {
    %c0_i32 = arith.constant 0 : i32
    %c0_i32_0 = arith.constant 0 : i32
    %c0_i32_1 = arith.constant 0 : i32
    return %c0_i32, %c0_i32_0 : i32, i32
  }
  func.func @transform_4(%arg0: i32) -> (i32, i32) {
    %c0_i32 = arith.constant 0 : i32
    %c0_i32_0 = arith.constant 0 : i32
    %c0_i32_1 = arith.constant 0 : i32
    return %c0_i32, %c0_i32_0 : i32, i32
  }
  func.func @transform_5(%arg0: i32) -> (i32, i32) {
    %c0_i32 = arith.constant 0 : i32
    %c0_i32_0 = arith.constant 0 : i32
    %c0_i32_1 = arith.constant 0 : i32
    return %c0_i32, %c0_i32_0 : i32, i32
  }
  func.func @transform_6(%arg0: i32) -> (i32, i32) {
    %c0_i32 = arith.constant 0 : i32
    %c0_i32_0 = arith.constant 0 : i32
    return %arg0, %c0_i32 : i32, i32
  }
  func.func @transform_7(%arg0: i32) -> (i32, i32) {
    %c0_i32 = arith.constant 0 : i32
    %c0_i32_0 = arith.constant 0 : i32
    return %arg0, %c0_i32 : i32, i32
  }
}

</mosaic_0001>

<sc_bundles>
// kernel: kernel.4.cloned.1.call-start
scs
__scs_entry_jumppad:
0x0: {  	(pc) =	sbr.rel $0x88, $3  }
0x1: {  	(tag) =	ssettag $0x0;
	lr =	simm.s32 $0x1  }
0x2: {  	[smem:$0x3F9A] =	sst lr;
	_ =	strace $0xD0000000  }
0x3: {  	_ = 	snop  }
0x4: {  	_ = 	snop  }
0x5: {  	_ = 	snop  }
0x6: {  	_ = 	snop  }
0x7: {  	_ = 	snop  }
__scs_overlays_trampoline_lowered:
0x8: {  	[smem:$0x3FA9] =	sst s0  }
0x9: {  	[smem:$0x3FAA] =	sst s1  }
0xa: {  	[smem:$0x3FAB] =	sst s2  }
0xb: {  	[smem:$0x3FAC] =	sst s3  }
0xc: {  	[smem:$0x3FAD] =	sst s4  }
0xd: {  	[smem:$0x3FAE] =	sst s5  }
0xe: {  	[smem:$0x3FAF] =	sst s6  }
0xf: {  	[smem:$0x3FB0] =	sst s7  }
0x10: {  	[smem:$0x3FB1] =	sst s8  }
0x11: {  	[smem:$0x3FB2] =	sst s9;
	s0 =	simm.s32 @!p0 $0x0  }
0x12: {  	s1 =	sld [smem:$0x3F98];
	s0 =	simm.s32 @p0 $0x1  }
0x13: {  	[smem:$0x3FB3] =	sst s0;
	s0 =	simm.s32 @!p1 $0x0  }
0x14: {  	s2 =	sld [smem:$0x3F97];
	s0 =	simm.s32 @p1 $0x1  }
0x15: {  	[smem:$0x3FB4] =	sst s0;
	s0 =	simm.s32 @!p2 $0x0  }
0x16: {  	s3 =	sld [smem:$0x3FDB];
	s0 =	simm.s32 @p2 $0x1  }
0x17: {  	s4 =	simm.s32 $0x1BF5;
	[smem:$0x3FB6] =	sst s0  }
0x18: {  	s0 =	sld [smem:$0x3F99];
	_ =	swait.ge [sflag:s4], $0x0  }
0x19: {  	s7 =	sld [smem:$0x3F9A]  }
0x1a: {  	s8 =	sadd.s32 $0xFFFFE003, lr  }
0x1b: {  	s9 =	sadd.s32 $0xFFFFFEF7, lr;
	s5 =	simm.s32 $0xFFFFFFFF;
	p2 =	slt.u32 s8, $0xFFFFF086  }
0x1c: {  	p1 =	slt.u32 s9, $0xF7A;
	s5 =	simm.s32 @!p2 $0x0  }
0x1d: {  	s5 =	simm.s32 @p1 $0x1;
	p0 =	seq.s32 s7, s2  }
0x1e: {  	s7 =	smul.u32 @!p0 $0xF7A, s2;
	p2 =	seq.s32 @!p0 s5, $0x0  }
0x1f: {  	s9 =	smul.u32 $0xF7A, s1;
	s8 =	simm.s32 @!p0 $0x1BF5;
	p2 =	por !p2, p0  }
0x20: {  	[sflag:s8] =	ssyncset.s32 @!p0 $0xFFFFF086;
	s6 =	sadd.s32 @!p0 s3, s7;
	s7 =	simm.s32 @!p0 $0x108  }
0x21: {  	s3 =	sadd.s32 s3, s9;
	s6 =	sadd.s32 @!p0 $0x88, s6;
	s7 =	simm.s32 @p2 $0x1082  }
0x22: {  	[simem:s7], [sflag:s8] =	dma.local @!p0 [hbm:s6], $0xF7A  }
0x23: {  	s9 =	sor.u32 $0xD0000000, s2;
	s6 =	simm.s32 $0x108;
	_ =	swait.ge @!p0 [sflag:s8], $0x0  }
0x24: {  	s3 =	sadd.s32 $0x88, s3;
	s6 =	simm.s32 @!p1 $0x1082;
	[sflag:s4] =	ssyncset.s32 $0xFFFFF086  }
0x25: {  	[simem:s6], [sflag:s4] =	dma.local [hbm:s3], $0xF7A  }
0x26: {  	[smem:$0x3F9A] =	sst s1;
	(tag) =	ssettag s2;
	_ =	strace s9  }
0x27: {  	s1 =	sld [smem:$0x3FAA]  }
0x28: {  	s2 =	sld [smem:$0x3FAB]  }
0x29: {  	s4 =	sld [smem:$0x3FAD]  }
0x2a: {  	p0 =	seq.s32 s5, $0x0;
	s5 =	sld [smem:$0x3FAE]  }
0x2b: {  	s6 =	sld [smem:$0x3FAF]  }
0x2c: {  	s7 =	sld [smem:$0x3FB0]  }
0x2d: {  	s3 =	simm.s32 $0x108;
	s8 =	sld [smem:$0x3FB1]  }
0x2e: {  	s3 =	simm.s32 @!p0 $0x1082;
	s9 =	sld [smem:$0x3FB2]  }
0x2f: {  	lr =	sadd.s32 s0, s3;
	s0 =	sld [smem:$0x3FA9]  }
0x30: {  	s3 =	sld [smem:$0x3FAC]  }
0x31: {  	[smem:$0x3FB5] =	sst s10  }
0x32: {  	s10 =	sld [smem:$0x3FB3];
	_ =	sdelay $0x3  }
0x33: {  	p0 =	seq.s32 s10, $0x1;
	s10 =	sld [smem:$0x3FB5];
	_ =	sdelay $0x3  }
0x34: {  	[smem:$0x3FB5] =	sst s10  }
0x35: {  	s10 =	sld [smem:$0x3FB4];
	_ =	sdelay $0x3  }
0x36: {  	p1 =	seq.s32 s10, $0x1;
	s10 =	sld [smem:$0x3FB5];
	_ =	sdelay $0x3  }
0x37: {  	[smem:$0x3FB5] =	sst s10  }
0x38: {  	s10 =	sld [smem:$0x3FB6]  }
0x39: {  	_ = 	snop;
	(pc) =	sbr.ind lr, $3  }
0x3a: {  	_ = 	snop  }
0x3b: {  	_ = 	snop  }
0x3c: {  	p2 =	seq.s32 s10, $0x1;
	s10 =	sld [smem:$0x3FB5]  }
0x3d: {  	_ =	shalt  }
0x3e: {  	_ =	shalt  }
0x3f: {  	_ =	shalt  }
0x40: {  	_ =	shalt  }
0x41: {  	_ =	shalt  }
0x42: {  	_ =	shalt  }
0x43: {  	_ =	shalt  }
0x44: {  	_ =	shalt  }
0x45: {  	_ =	shalt  }
0x46: {  	_ =	shalt  }
0x47: {  	_ =	shalt  }
0x48: {  	_ =	shalt  }
0x49: {  	_ =	shalt  }
0x4a: {  	_ =	shalt  }
0x4b: {  	_ =	shalt  }
0x4c: {  	_ =	shalt  }
0x4d: {  	_ =	shalt  }
0x4e: {  	_ =	shalt  }
0x4f: {  	_ =	shalt  }
0x50: {  	_ =	shalt  }
0x51: {  	_ =	shalt  }
0x52: {  	_ =	shalt  }
0x53: {  	_ =	shalt  }
0x54: {  	_ =	shalt  }
0x55: {  	_ =	shalt  }
0x56: {  	_ =	shalt  }
0x57: {  	_ =	shalt  }
0x58: {  	_ =	shalt  }
0x59: {  	_ =	shalt  }
0x5a: {  	_ =	shalt  }
0x5b: {  	_ =	shalt  }
0x5c: {  	_ =	shalt  }
0x5d: {  	_ =	shalt  }
0x5e: {  	_ =	shalt  }
0x5f: {  	_ =	shalt  }
0x60: {  	_ =	shalt  }
0x61: {  	_ =	shalt  }
0x62: {  	_ =	shalt  }
0x63: {  	_ =	shalt  }
0x64: {  	_ =	shalt  }
0x65: {  	_ =	shalt  }
0x66: {  	_ =	shalt  }
0x67: {  	_ =	shalt  }
0x68: {  	_ =	shalt  }
0x69: {  	_ =	shalt  }
0x6a: {  	_ =	shalt  }
0x6b: {  	_ =	shalt  }
0x6c: {  	_ =	shalt  }
0x6d: {  	_ =	shalt  }
0x6e: {  	_ =	shalt  }
0x6f: {  	_ =	shalt  }
0x70: {  	_ =	shalt  }
0x71: {  	_ =	shalt  }
0x72: {  	_ =	shalt  }
0x73: {  	_ =	shalt  }
0x74: {  	_ =	shalt  }
0x75: {  	_ =	shalt  }
0x76: {  	_ =	shalt  }
0x77: {  	_ =	shalt  }
0x78: {  	_ =	shalt  }
0x79: {  	_ =	shalt  }
0x7a: {  	_ =	shalt  }
0x7b: {  	_ =	shalt  }
0x7c: {  	_ =	shalt  }
0x7d: {  	_ =	shalt  }
0x7e: {  	_ =	shalt  }
0x7f: {  	_ =	shalt  }
0x80: {  	_ =	shalt  }
0x81: {  	_ =	shalt  }
0x82: {  	_ =	shalt  }
0x83: {  	_ =	shalt  }
0x84: {  	_ =	shalt  }
0x85: {  	_ =	shalt  }
0x86: {  	_ =	shalt  }
0x87: {  	_ =	shalt  }
.Lfunc_end0:
.L_simem_size_0:
called_computation_lowered:
.L_overlay_start_0:
0x88: {  	s2 =	sld [smem:$0x3FD9]  }
0x89: {  	s3 =	sld [smem:$0x3FFE];
	_ =	sdelay $0x1  }
0x8a: {  	s1 =	srdreg.scid  }
0x8b: {  	s0 =	sand.u32 $0x1, s1  }
0x8c: {  	s14 =	sshll.u32 s0, $0xA;
	s2 =	sadd.s32 s3, s2  }
0x8d: {  	s2 =	sadd.s32 s2, s14  }
0x8e: {  	[smem:$0x3FC1] =	sst s2  }
0x8f: {  	_ = 	snop  }
0x90: {  	s2 =	sld [smem:$0x3FD0];
	_ =	sdelay $0x1  }
0x91: {  	s15 =	sld [smem:$0x3FC9]  }
0x92: {  	s5 =	simm.s32 $0xA;
	s6 =	simm.s32 $0x10;
	s4 =	sld [smem:$0x3FC8]  }
0x93: {  	[smem:s6], [sflag:s5] =	dma.local [hbm:s2], $0x1  }
0x94: {  	_ =	swait.eq [sflag:s5], $0x1  }
0x95: {  	[sflag:s5] =	ssyncset.done $0x0  }
0x96: {  	s16 =	sld [smem:$0x10];
	[sflag:s5] =	ssyncadd.s32 $0xFFFFFFFF  }
0x97: {  	s17 =	sld [smem:$0x11];
	(tm) =	ssettm $0x1  }
0x98: {  	s18 =	sld [smem:$0x3FFB];
	_ =	sdelay $0x3  }
0x99: {  	_ =	strace s18  }
0x9a: {  	s6 =	sld [smem:$0x3FFC];
	_ =	sdelay $0x3  }
0x9b: {  	_ =	strace s6  }
0x9c: {  	s6 =	sld [smem:$0x3FFD];
	_ =	sdelay $0x3  }
0x9d: {  	_ =	strace s6  }
0x9e: {  	_ =	strace $0x8FFFFFFF  }
0x9f: {  	s19 =	sld [smem:$0x3FDB];
	_ =	sdelay $0x1  }
0xa0: {  	s7 =	simm.s32 $_scs_section_size  }
0xa1: {  	s8 =	simm.s32 $_size__tile_overlayer_lowered;
	s9 =	simm.s32 $_tile_overlayer_lowered  }
0xa2: {  	s22 =	simm.s32 $0x1BFF;
	s21 =	sshll.u32 s9, $0x1;
	s6 =	sadd.s32 s7, s19  }
0xa3: {  	s10 =	simm.s32 $0x0;
	s20 =	sshll.u32 s8, $0x1;
	s8 =	sadd.s32 s21, s6  }
0xa4: {  	[timem:s10], [sflag:s22] =	dma.local [hbm:s8], s20  }
0xa5: {  	_ =	swait.ge [sflag:s22], s20  }
0xa6: {  	s7 =	ssub.s32 $0x0, s20;
	[sflag:s22] =	ssyncset.done $0x0  }
0xa7: {  	[sflag:s22] =	ssyncadd.s32 s7;
	_ =	sdelay $0x1  }
0xa8: {  	s23 =	simm.s32 $0x1B8B  }
0xa9: {  	_ =	swait.ge [sflag:s23], $0x1  }
0xaa: {  	[sflag:s23] =	ssyncset.done $0x0  }
0xab: {  	s25 =	simm.s32 $0x1B8E;
	s24 =	sld [smem:$0x3FFE];
	[sflag:s23] =	ssyncadd.s32 $0xFFFFFFFF  }
0xac: {  	s26 =	simm.s32 $execute0_lowered;
	[smem:$0x3FD2] =	sst s25  }
0xad: {  	s8 =	sshll.u32 s26, $0x1;
	_ =	strace $0x80000046;
	[dreg:$0x1] =	wrdreg $0xFFFFFFFF  }
0xae: {  	s28 =	simm.s32 $_size_execute0_lowered;
	s6 =	sadd.s32 s6, s8;
	[dreg:$0x0] =	wrdreg $0x0  }
0xaf: {  	s8 =	sshll.u32 s28, $0x1;
	[dreg:$0x2] =	wrdreg s6  }
0xb0: {  	[dreg:$0x3] =	wrdreg s8  }
0xb1: {  	[dreg:$0x4] =	wrdreg $0xC0  }
0xb2: {  	_ =	task [dreg:s10], $0x5FFFF  }
0xb3: {  	[dreg:$0x1] =	wrdreg $0xFFFFFFFF  }
0xb4: {  	[dreg:$0x0] =	wrdreg $0x60  }
0xb5: {  	[dreg:$0x2] =	wrdreg s15  }
0xb6: {  	[dreg:$0x3] =	wrdreg s4  }
0xb7: {  	[dreg:$0x4] =	wrdreg s17  }
0xb8: {  	[dreg:$0x5] =	wrdreg s16  }
0xb9: {  	[dreg:$0x6] =	wrdreg s24  }
0xba: {  	[dreg:$0x7] =	wrdreg $0xC0000  }
0xbb: {  	[dreg:$0x8] =	wrdreg $0x9  }
0xbc: {  	_ =	task.clear_ibuf [dreg:s10], $0x9FFFF;
	_ =	strace $0x90000046  }
0xbd: {  	s29 =	simm.s32 $0x9;
	_ =	strace $0x80000048  }
0xbe: {  	_ =	swait.ge [sflag:s29], $0x1  }
0xbf: {  	[sflag:s29] =	ssyncadd.s32 $0xFFFFFFFF  }
0xc0: {  	_ =	strace $0x90000048  }
0xc1: {  	_ =	sfence  }
0xc2: {  	s30 =	sld [smem:$0x0];
	_ =	sdelay $0x2  }
0xc3: {  	s31 =	sshll.u32 s1, $0xD;
	s1 =	sshrl.u32 s1, $0x2  }
0xc4: {  	s3 =	sand.u32 $0x4000, s31;
	s1 =	sadd.s32 s1, s30  }
0xc5: {  	s0 =	sor.u32 s3, s0;
	s1 =	sshll.u32 s1, $0x11  }
0xc6: {  	s0 =	sor.u32 s1, s0  }
0xc7: {  	s0 =	sadd.s32 $0x8F2B, s0  }
0xc8: {  	[sflag:s0] =	ssyncadd.remote.s32 $0x1  }
0xc9: {  	_ =	sfence.sel $0xFFFF  }
0xca: {  	[dreg:$0x0] =	wrdreg $0xFFFFFFFF;
	(pc) =	sbr.abs _section_cstart, $3  }
0xcb: {  	[dreg:$0x1] =	wrdreg $0xFFFFFFFF  }
0xcc: {  	_ =	task.clear_ibuf [dreg:s10], $0x2FFFF;
	_ =	strace $0x9FFFFFFF  }
0xcd: {  	(tm) =	ssettm $0x7FFFFFFF  }
tec
execute0_lowered:
.L_overlay_start_1:
0x0: {  	(tag) =	ssettag $0x1  }
0x1: {  	s1 =	rddreg [dreg:$0x0]  }
0x2: {  	s2 =	rddreg [dreg:$0x1]  }
0x3: {  	s4 =	rddreg [dreg:$0x3]  }
0x4: {  	s0 =	rddreg [dreg:$0x4]  }
0x5: {  	s6 =	rddreg [dreg:$0x5]  }
0x6: {  	s10 =	simm.s32 $0x0;
	s5 =	srdreg.scid;
	s3 =	stileid.u32  }
0x7: {  	s28 =	simm.s32 $0x80;
	s29 =	simm.s32 $0x6000;
	s7 =	smul.u32 $0x50000, s3  }
0x8: {  	[smem:$0x7FF] =	sst s10;
	s5 =	sand.u32 $0x1, s5;
	s11 =	smul.u32 $0xA000, s3  }
0x9: {  	s8 =	sadd.s32 $0xC00, s0;
	s0 =	sadd.s32 $0x28C00, s0;
	s3 =	smul.u32 $0x2800, s3  }
0xa: {  	_ =	strace $0x80000047;
	[dreg:$0x8] =	wrdreg s8;
	s15 =	ssub.s32 $0x2, s5  }
0xb: {  	[dreg:$0x9] =	wrdreg s0;
	s16 =	sshrl.u32 s15, $0x1;
	s7 =	sshrl.u32 s7, $0x2  }
0xc: {  	[dreg:$0xb] =	wrdreg s3;
	s0 =	ssub.s32 s15, s16;
	s22 =	sadd.s32 s7, s6  }
0xd: {  	s30 =	simm.s32 $0x100;
	s0 =	smax.u32 s0, $0x1;
	[dreg:$0xa] =	wrdreg s22  }
0xe: {  	s31 =	simm.s32 $0x8000;
	s17 =	sadd.s32 $0x2000, s22;
	[dreg:$0xc] =	wrdreg s0  }
0xf: {  	s9 =	simm.s32 $0xA000;
	s18 =	sadd.s32 $0x4000, s22;
	[dreg:$0xd] =	wrdreg s17  }
0x10: {  	s12 =	simm.s32 $0x2080;
	s19 =	sadd.s32 $0x6000, s22;
	[dreg:$0xe] =	wrdreg s18  }
0x11: {  	s13 =	simm.s32 $0x5;
	s20 =	sadd.s32 $0x8000, s22;
	[dreg:$0xf] =	wrdreg s19  }
0x12: {  	s14 =	simm.s32 $0x3;
	s21 =	sadd.s32 $0xA000, s22;
	[dreg:$0x10] =	wrdreg s20  }
0x13: {  	p0 =	sne.s32 s5, $0x0;
	s23 =	sadd.s32 $0xC000, s22;
	[dreg:$0x11] =	wrdreg s21  }
0x14: {  	s8 =	simm.s32 $0x180;
	s24 =	sadd.s32 $0xE000, s22;
	[dreg:$0x12] =	wrdreg s23  }
0x15: {  	s5 =	simm.s32 $0x2;
	s25 =	sadd.s32 $0x10000, s22;
	[dreg:$0x13] =	wrdreg s24  }
.Ltmp0:
0x16: {  	s26 =	sadd.s32 $0x12000, s22;
	[dreg:$0x14] =	wrdreg s25;
	(pc) =	sbr.rel .LBB2_1-.Ltmp0, $4  }
0x17: {  	s15 =	simm.s32 $0x6;
	s16 =	simm.s32 $0x4;
	[dreg:$0x15] =	wrdreg s26  }
0x18: {  	s23 =	simm.s32 $0x4000;
	s24 =	simm.s32 $0x9;
	s25 =	simm.s32 $0x2000  }
0x19: {  	s26 =	simm.s32 $0x40;
	s0 =	simm.s32 $0x1;
	s17 =	simm.s32 $0x7  }
0x1a: {  	v0 =	vimm.f32 $0.0e+00;
	s18 =	simm.s32 $0x8;
	s19 =	simm.s32 $0x3F00;
	s20 =	simm.s32 $0x3F80  }
.LBB2_12:
0x1b: {  	s3 =	rddreg [dreg:$0xb];
	s10 =	stileid.u32;
	[bflag:$0x0] =	sbarrier.arrive $0xFFFF  }
0x1c: {  	s3 =	sadd.s32 s7, s3;
	s7 =	sshll.u32 s10, $0x6;
	s22 =	rddreg [dreg:$0xa]  }
0x1d: {  	s7 =	sor.u32 $0x1C09, s7;
	s10 =	sshrl.u32 s22, $0x3  }
0x1e: {  	[hbm:s3], [sflag:s7] =	dma.local [spmem:s10], $0x2800  }
0x1f: {  	_ =	swait.ge [sflag:s24], $0x2800  }
0x20: {  	s10 =	sadd.s32 $0x1, s21;
	s21 =	rddreg [dreg:$0xc]  }
0x21: {  	p1 =	sne.s32 s10, s21  }
.Ltmp1:
0x22: {  	_ = 	snop;
	(pc) =	sbr.rel @!p1 .LBB2_13-.Ltmp1, $3  }
0x23: {  	_ =	sdelay $0x1  }
0x24: {  	[sflag:s24] =	ssyncset.done $0x0  }
0x25: {  	[sflag:s24] =	ssyncadd.s32 $0xFFFFD800  }
.LBB2_1:
0x26: {  	[dreg:$0x7] =	wrdreg s10;
	s7 =	simm.s32 $0x0;
	s10 =	simm.s32 $0x200  }
.LBB2_2:
0x27: {  	p1 =	sne.s32 s10, $0x7E00;
	[tilespmem:s7+$0x4070] =	vst v0  }
0x28: {  	[tilespmem:s7+$0x4000] =	vst v0  }
0x29: {  	[tilespmem:s7+$0x4010] =	vst v0  }
.Ltmp2:
0x2a: {  	[tilespmem:s7+$0x4020] =	vst v0;
	(pc) =	sbr.rel @p1 .LBB2_2-.Ltmp2, $4  }
0x2b: {  	[tilespmem:s7+$0x4030] =	vst v0  }
0x2c: {  	[tilespmem:s7+$0x4040] =	vst v0  }
0x2d: {  	[tilespmem:s7+$0x4050] =	vst v0  }
0x2e: {  	[tilespmem:s7+$0x4060] =	vst v0;
	s7 =	sshra.s32 s10, $0x2;
	s10 =	sadd.s32 $0x200, s10  }
0x2f: {  	[tilespmem:s7+$0x4070] =	vst v0  }
0x30: {  	[tilespmem:s7+$0x4000] =	vst v0  }
0x31: {  	[tilespmem:s7+$0x4010] =	vst v0  }
0x32: {  	[tilespmem:s7+$0x4020] =	vst v0  }
0x33: {  	[tilespmem:s7+$0x4030] =	vst v0  }
0x34: {  	[tilespmem:s7+$0x4040] =	vst v0  }
0x35: {  	[tilespmem:s7+$0x4050] =	vst v0  }
0x36: {  	[tilespmem:s7+$0x4060] =	vst v0  }
0x37: {  	[spmem:s22] =	stream.linear.scatter [tilespmem:s23], [sflag:$0x9], $0x2000, $0x38;
	v63 =	vld [tilespmem:$0x0]  }
0x38: {  	_ =	swait.ge [sflag:s24], $0x2000  }
0x39: {  	[sflag:s24] =	ssyncset.done $0x0  }
0x3a: {  	s3 =	rddreg [dreg:$0xd];
	[sflag:s24] =	ssyncadd.s32 $0xFFFFE000  }
0x3b: {  	[spmem:s3] =	stream.linear.scatter [tilespmem:s23], [sflag:$0x9], $0x2000, $0x38;
	v63 =	vld [tilespmem:$0x0]  }
0x3c: {  	_ =	swait.ge [sflag:s24], $0x2000  }
0x3d: {  	[sflag:s24] =	ssyncset.done $0x0  }
0x3e: {  	s7 =	rddreg [dreg:$0xe];
	[sflag:s24] =	ssyncadd.s32 $0xFFFFE000  }
0x3f: {  	[spmem:s7] =	stream.linear.scatter [tilespmem:s23], [sflag:$0x9], $0x2000, $0x38;
	v63 =	vld [tilespmem:$0x0]  }
0x40: {  	_ =	swait.ge [sflag:s24], $0x2000  }
0x41: {  	[sflag:s24] =	ssyncset.done $0x0  }
0x42: {  	s10 =	rddreg [dreg:$0xf];
	[sflag:s24] =	ssyncadd.s32 $0xFFFFE000  }
0x43: {  	[spmem:s10] =	stream.linear.scatter [tilespmem:s23], [sflag:$0x9], $0x2000, $0x38;
	v63 =	vld [tilespmem:$0x0]  }
0x44: {  	_ =	swait.ge [sflag:s24], $0x2000  }
0x45: {  	[sflag:s24] =	ssyncset.done $0x0  }
0x46: {  	s21 =	rddreg [dreg:$0x10];
	[sflag:s24] =	ssyncadd.s32 $0xFFFFE000  }
0x47: {  	[spmem:s21] =	stream.linear.scatter [tilespmem:s23], [sflag:$0x9], $0x2000, $0x38;
	v63 =	vld [tilespmem:$0x0]  }
0x48: {  	_ =	swait.ge [sflag:s24], $0x2000  }
0x49: {  	[sflag:s24] =	ssyncset.done $0x0  }
0x4a: {  	s22 =	rddreg [dreg:$0x11];
	[sflag:s24] =	ssyncadd.s32 $0xFFFFE000  }
0x4b: {  	[spmem:s22] =	stream.linear.scatter [tilespmem:s23], [sflag:$0x9], $0x2000, $0x38;
	v63 =	vld [tilespmem:$0x0]  }
0x4c: {  	_ =	swait.ge [sflag:s24], $0x2000  }
0x4d: {  	[sflag:s24] =	ssyncset.done $0x0  }
0x4e: {  	s7 =	rddreg [dreg:$0x12];
	[sflag:s24] =	ssyncadd.s32 $0xFFFFE000  }
0x4f: {  	[spmem:s7] =	stream.linear.scatter [tilespmem:s23], [sflag:$0x9], $0x2000, $0x38;
	v63 =	vld [tilespmem:$0x0]  }
0x50: {  	_ =	swait.ge [sflag:s24], $0x2000  }
0x51: {  	[sflag:s24] =	ssyncset.done $0x0  }
0x52: {  	s10 =	rddreg [dreg:$0x13];
	[sflag:s24] =	ssyncadd.s32 $0xFFFFE000  }
0x53: {  	[spmem:s10] =	stream.linear.scatter [tilespmem:s23], [sflag:$0x9], $0x2000, $0x38;
	v63 =	vld [tilespmem:$0x0]  }
0x54: {  	_ =	swait.ge [sflag:s24], $0x2000  }
0x55: {  	[sflag:s24] =	ssyncset.done $0x0  }
0x56: {  	s21 =	rddreg [dreg:$0x14];
	[sflag:s24] =	ssyncadd.s32 $0xFFFFE000  }
0x57: {  	[spmem:s21] =	stream.linear.scatter [tilespmem:s23], [sflag:$0x9], $0x2000, $0x38;
	v63 =	vld [tilespmem:$0x0]  }
0x58: {  	_ =	swait.ge [sflag:s24], $0x2000  }
0x59: {  	[sflag:s24] =	ssyncset.done $0x0  }
0x5a: {  	s22 =	rddreg [dreg:$0x15];
	[sflag:s24] =	ssyncadd.s32 $0xFFFFE000  }
0x5b: {  	[spmem:s22] =	stream.linear.scatter [tilespmem:s23], [sflag:$0x9], $0x2000, $0x38;
	v63 =	vld [tilespmem:$0x0]  }
.Ltmp3:
0x5c: {  	_ =	swait.ge [sflag:s24], $0x2000;
	(pc) =	sbr.rel @p0 .LBB2_8-.Ltmp3, $4  }
0x5d: {  	[sflag:s24] =	ssyncset.done $0x0  }
0x5e: {  	[sflag:s24] =	ssyncadd.s32 $0xFFFFE000  }
0x5f: {  	[bflag:$0x0] =	sbarrier.arrive $0xFFFF  }
0x60: {  	s10 =	simm.s32 $0x0;
	s21 =	simm.s32 $0x0;
	s22 =	simm.s32 $0x0  }
.LBB2_4:
0x61: {  	s7 =	sshll.u32 s22, $0xD  }
0x62: {  	s7 =	sadd.s32 s11, s7  }
0x63: {  	s3 =	rddreg [dreg:$0x2];
	s7 =	sshrl.u32 s7, $0x3  }
0x64: {  	s10 =	sadd.s32 s3, s7  }
0x65: {  	[tilespmem:s21], [sflag:$0x9] =	stream.linear.gather [hbm4b:s10+s21], $0x2000, $0x38;
	v63 =	vld [tilespmem:$0x0]  }
0x66: {  	_ =	swait.ge [sflag:s24], $0x2000  }
0x67: {  	[sflag:s24] =	ssyncset.done $0x0  }
0x68: {  	s7 =	sadd.s32 s4, s7;
	[sflag:s24] =	ssyncadd.s32 $0xFFFFE000  }
0x69: {  	[tilespmem:s25], [sflag:$0x9] =	stream.linear.gather [hbm4b:s7+s21], $0x2000, $0x38;
	v63 =	vld [tilespmem:$0x0]  }
0x6a: {  	_ =	swait.ge [sflag:s24], $0x2000  }
0x6b: {  	[sflag:s24] =	ssyncset.done $0x0  }
0x6c: {  	[sflag:s24] =	ssyncadd.s32 $0xFFFFE000  }
0x6d: {  	[tilespmem:s23], [sflag:$0x1] =	stream.indirect.gather [hbm4b:s1+s26], $0x80, s21, s26, $0xb8;
	v63 =	vld [tilespmem:$0x0]  }
0x6e: {  	_ = 	snop  }
0x6f: {  	[tilespmem:s29], [sflag:$0x2] =	stream.indirect.gather [hbm4b:s1+s26], $0x80, s28, s26, $0xb8;
	v63 =	vld [tilespmem:$0x0]  }
0x70: {  	_ = 	snop  }
0x71: {  	[tilespmem:s31], [sflag:$0x3] =	stream.indirect.gather [hbm4b:s1+s26], $0x80, s30, s26, $0xb8;
	v63 =	vld [tilespmem:$0x0]  }
0x72: {  	_ =	swait.ge [sflag:s0], $0x2000  }
0x73: {  	[sflag:s0] =	ssyncset.done $0x0  }
0x74: {  	[sflag:s0] =	ssyncadd.s32 $0xFFFFE000  }
0x75: {  	[spmem:s6] =	stream.indirect.scatter.add.f32 [tilespmem:s23], [sflag:$0x5], $0x80, s25, s26, $0xb8;
	v63 =	vld [tilespmem:$0x0]  }
0x76: {  	_ = 	snop  }
0x77: {  	[tilespmem:s9], [sflag:$0x4] =	stream.indirect.gather [hbm4b:s1+s26], $0x80, s8, s26, $0xb8;
	v63 =	vld [tilespmem:$0x0]  }
0x78: {  	_ =	swait.ge [sflag:s5], $0x2000  }
0x79: {  	[sflag:s5] =	ssyncset.done $0x0  }
0x7a: {  	[sflag:s5] =	ssyncadd.s32 $0xFFFFE000  }
0x7b: {  	[spmem:s6] =	stream.indirect.scatter.add.f32 [tilespmem:s29], [sflag:$0x6], $0x80, s12, s26, $0xb8;
	v63 =	vld [tilespmem:$0x0]  }
0x7c: {  	_ =	swait.ge [sflag:s13], $0x2000  }
0x7d: {  	[sflag:s13] =	ssyncset.done $0x0  }
0x7e: {  	s10 =	simm.s32 $0x200;
	[sflag:s13] =	ssyncadd.s32 $0xFFFFE000  }
0x7f: {  	[tilespmem:s23], [sflag:$0x1] =	stream.indirect.gather [hbm4b:s1+s26], $0x80, s10, s26, $0xb8;
	v63 =	vld [tilespmem:$0x0]  }
0x80: {  	_ =	swait.ge [sflag:s14], $0x2000  }
0x81: {  	[sflag:s14] =	ssyncset.done $0x0  }
0x82: {  	s3 =	simm.s32 $0x2100;
	[sflag:s14] =	ssyncadd.s32 $0xFFFFE000  }
0x83: {  	[spmem:s6] =	stream.indirect.scatter.add.f32 [tilespmem:s31], [sflag:$0x7], $0x80, s3, s26, $0xb8;
	v63 =	vld [tilespmem:$0x0]  }
0x84: {  	_ =	swait.ge [sflag:s15], $0x2000  }
0x85: {  	[sflag:s15] =	ssyncset.done $0x0  }
0x86: {  	s10 =	simm.s32 $0x280;
	[sflag:s15] =	ssyncadd.s32 $0xFFFFE000  }
0x87: {  	[tilespmem:s29], [sflag:$0x2] =	stream.indirect.gather [hbm4b:s1+s26], $0x80, s10, s26, $0xb8;
	v63 =	vld [tilespmem:$0x0]  }
0x88: {  	_ =	swait.ge [sflag:s16], $0x2000  }
0x89: {  	[sflag:s16] =	ssyncset.done $0x0  }
0x8a: {  	s3 =	simm.s32 $0x2180;
	[sflag:s16] =	ssyncadd.s32 $0xFFFFE000  }
0x8b: {  	[spmem:s6] =	stream.indirect.scatter.add.f32 [tilespmem:s9], [sflag:$0x8], $0x80, s3, s26, $0xb8;
	v63 =	vld [tilespmem:$0x0]  }
0x8c: {  	_ =	swait.ge [sflag:s17], $0x2000  }
0x8d: {  	[sflag:s17] =	ssyncset.done $0x0  }
0x8e: {  	s10 =	simm.s32 $0x300;
	[sflag:s17] =	ssyncadd.s32 $0xFFFFE000  }
0x8f: {  	[tilespmem:s31], [sflag:$0x3] =	stream.indirect.gather [hbm4b:s1+s26], $0x80, s10, s26, $0xb8;
	v63 =	vld [tilespmem:$0x0]  }
0x90: {  	_ =	swait.ge [sflag:s0], $0x2000  }
0x91: {  	[sflag:s0] =	ssyncset.done $0x0  }
0x92: {  	s3 =	simm.s32 $0x2200;
	[sflag:s0] =	ssyncadd.s32 $0xFFFFE000  }
0x93: {  	[spmem:s6] =	stream.indirect.scatter.add.f32 [tilespmem:s23], [sflag:$0x5], $0x80, s3, s26, $0xb8;
	v63 =	vld [tilespmem:$0x0]  }
0x94: {  	_ =	swait.ge [sflag:s18], $0x2000  }
0x95: {  	[sflag:s18] =	ssyncset.done $0x0  }
0x96: {  	s10 =	simm.s32 $0x380;
	[sflag:s18] =	ssyncadd.s32 $0xFFFFE000  }
0x97: {  	[tilespmem:s9], [sflag:$0x4] =	stream.indirect.gather [hbm4b:s1+s26], $0x80, s10, s26, $0xb8;
	v63 =	vld [tilespmem:$0x0]  }
0x98: {  	_ =	swait.ge [sflag:s5], $0x2000  }
0x99: {  	[sflag:s5] =	ssyncset.done $0x0  }
0x9a: {  	s7 =	simm.s32 $0x2280;
	s10 =	simm.s32 $0x800;
	[sflag:s5] =	ssyncadd.s32 $0xFFFFE000  }
.LBB2_5:
0x9b: {  	[spmem:s6] =	stream.indirect.scatter.add.f32 [tilespmem:s29], [sflag:$0x6], $0x80, s7, s26, $0xb8;
	v63 =	vld [tilespmem:$0x0]  }
0x9c: {  	s7 =	smov.u32 s10  }
0x9d: {  	p1 =	sne.s32 s10, $0x7000;
	s10 =	sadd.s32 $0x800, s10;
	_ =	swait.ge [sflag:s13], $0x2000  }
0x9e: {  	s7 =	sshra.s32 s7, $0x2;
	[sflag:s13] =	ssyncset.done $0x0  }
0x9f: {  	s3 =	sadd.s32 $0x200, s7;
	[sflag:s13] =	ssyncadd.s32 $0xFFFFE000  }
0xa0: {  	[tilespmem:s23], [sflag:$0x1] =	stream.indirect.gather [hbm4b:s1+s26], $0x80, s3, s26, $0xb8;
	v63 =	vld [tilespmem:$0x0]  }
0xa1: {  	_ =	swait.ge [sflag:s14], $0x2000  }
0xa2: {  	[sflag:s14] =	ssyncset.done $0x0  }
0xa3: {  	s3 =	sadd.s32 $0x2100, s7;
	[sflag:s14] =	ssyncadd.s32 $0xFFFFE000  }
0xa4: {  	[spmem:s6] =	stream.indirect.scatter.add.f32 [tilespmem:s31], [sflag:$0x7], $0x80, s3, s26, $0xb8;
	v63 =	vld [tilespmem:$0x0]  }
0xa5: {  	_ =	swait.ge [sflag:s15], $0x2000  }
0xa6: {  	[sflag:s15] =	ssyncset.done $0x0  }
0xa7: {  	s3 =	sadd.s32 $0x280, s7;
	[sflag:s15] =	ssyncadd.s32 $0xFFFFE000  }
0xa8: {  	[tilespmem:s29], [sflag:$0x2] =	stream.indirect.gather [hbm4b:s1+s26], $0x80, s3, s26, $0xb8;
	v63 =	vld [tilespmem:$0x0]  }
0xa9: {  	_ =	swait.ge [sflag:s16], $0x2000  }
0xaa: {  	[sflag:s16] =	ssyncset.done $0x0  }
0xab: {  	s3 =	sadd.s32 $0x2180, s7;
	[sflag:s16] =	ssyncadd.s32 $0xFFFFE000  }
0xac: {  	[spmem:s6] =	stream.indirect.scatter.add.f32 [tilespmem:s9], [sflag:$0x8], $0x80, s3, s26, $0xb8;
	v63 =	vld [tilespmem:$0x0]  }
0xad: {  	_ =	swait.ge [sflag:s17], $0x2000  }
0xae: {  	[sflag:s17] =	ssyncset.done $0x0  }
0xaf: {  	s3 =	sadd.s32 $0x300, s7;
	[sflag:s17] =	ssyncadd.s32 $0xFFFFE000  }
0xb0: {  	[tilespmem:s31], [sflag:$0x3] =	stream.indirect.gather [hbm4b:s1+s26], $0x80, s3, s26, $0xb8;
	v63 =	vld [tilespmem:$0x0]  }
0xb1: {  	_ =	swait.ge [sflag:s0], $0x2000  }
0xb2: {  	[sflag:s0] =	ssyncset.done $0x0  }
0xb3: {  	s3 =	sadd.s32 $0x2200, s7;
	[sflag:s0] =	ssyncadd.s32 $0xFFFFE000  }
0xb4: {  	[spmem:s6] =	stream.indirect.scatter.add.f32 [tilespmem:s23], [sflag:$0x5], $0x80, s3, s26, $0xb8;
	v63 =	vld [tilespmem:$0x0]  }
0xb5: {  	_ =	swait.ge [sflag:s18], $0x2000  }
0xb6: {  	[sflag:s18] =	ssyncset.done $0x0  }
.Ltmp4:
0xb7: {  	s3 =	sadd.s32 $0x380, s7;
	[sflag:s18] =	ssyncadd.s32 $0xFFFFE000;
	(pc) =	sbr.rel @p1 .LBB2_5-.Ltmp4, $4  }
0xb8: {  	[tilespmem:s9], [sflag:$0x4] =	stream.indirect.gather [hbm4b:s1+s26], $0x80, s3, s26, $0xb8;
	v63 =	vld [tilespmem:$0x0]  }
0xb9: {  	_ =	swait.ge [sflag:s5], $0x2000  }
0xba: {  	[sflag:s5] =	ssyncset.done $0x0  }
0xbb: {  	s7 =	sadd.s32 $0x2280, s7;
	[sflag:s5] =	ssyncadd.s32 $0xFFFFE000  }
0xbc: {  	[spmem:s6] =	stream.indirect.scatter.add.f32 [tilespmem:s29], [sflag:$0x6], $0x80, s7, s26, $0xb8;
	v63 =	vld [tilespmem:$0x0]  }
0xbd: {  	_ =	swait.ge [sflag:s14], $0x2000  }
0xbe: {  	[sflag:s14] =	ssyncset.done $0x0  }
0xbf: {  	[sflag:s14] =	ssyncadd.s32 $0xFFFFE000  }
0xc0: {  	[spmem:s6] =	stream.indirect.scatter.add.f32 [tilespmem:s31], [sflag:$0x7], $0x80, s19, s26, $0xb8;
	v63 =	vld [tilespmem:$0x0]  }
0xc1: {  	_ =	swait.ge [sflag:s16], $0x2000  }
0xc2: {  	[sflag:s16] =	ssyncset.done $0x0  }
0xc3: {  	[sflag:s16] =	ssyncadd.s32 $0xFFFFE000  }
0xc4: {  	[spmem:s6] =	stream.indirect.scatter.add.f32 [tilespmem:s9], [sflag:$0x8], $0x80, s20, s26, $0xb8;
	v63 =	vld [tilespmem:$0x0]  }
0xc5: {  	_ =	swait.ge [sflag:s13], $0x2000  }
0xc6: {  	[sflag:s13] =	ssyncset.done $0x0  }
0xc7: {  	[sflag:s13] =	ssyncadd.s32 $0xFFFFE000  }
0xc8: {  	_ =	swait.ge [sflag:s15], $0x2000  }
0xc9: {  	[sflag:s15] =	ssyncset.done $0x0  }
0xca: {  	s22 =	sadd.s32 $0x1, s22;
	[sflag:s15] =	ssyncadd.s32 $0xFFFFE000  }
0xcb: {  	p1 =	seq.s32 s22, $0x5;
	_ =	swait.ge [sflag:s17], $0x2000  }
.Ltmp5:
0xcc: {  	[sflag:s17] =	ssyncset.done $0x0;
	(pc) =	sbr.rel @!p1 .LBB2_4-.Ltmp5, $4  }
0xcd: {  	[sflag:s17] =	ssyncadd.s32 $0xFFFFE000  }
0xce: {  	_ =	swait.ge [sflag:s18], $0x2000  }
0xcf: {  	[sflag:s18] =	ssyncset.done $0x0  }
0xd0: {  	[sflag:s18] =	ssyncadd.s32 $0xFFFFE000  }
.Ltmp6:
0xd1: {  	(pc) =	sbr.rel .LBB2_12-.Ltmp6, $3  }
0xd2: {  	_ =	sdelay $0x1  }
0xd3: {  	s7 =	rddreg [dreg:$0x8]  }
0xd4: {  	s21 =	rddreg [dreg:$0x7]  }
.LBB2_8:
0xd5: {  	s3 =	sshll.u32 s10, $0xD  }
0xd6: {  	s3 =	sadd.s32 s11, s3  }
0xd7: {  	s7 =	rddreg [dreg:$0x2];
	s3 =	sshrl.u32 s3, $0x3  }
0xd8: {  	s7 =	sadd.s32 s7, s3  }
0xd9: {  	[tilespmem:s21], [sflag:$0x9] =	stream.linear.gather [hbm4b:s7+s21], $0x2000, $0x38;
	v63 =	vld [tilespmem:$0x0]  }
0xda: {  	_ =	swait.ge [sflag:s24], $0x2000  }
0xdb: {  	[sflag:s24] =	ssyncset.done $0x0  }
0xdc: {  	s3 =	sadd.s32 s4, s3;
	[sflag:s24] =	ssyncadd.s32 $0xFFFFE000  }
0xdd: {  	[tilespmem:s25], [sflag:$0x9] =	stream.linear.gather [hbm4b:s3+s21], $0x2000, $0x38;
	v63 =	vld [tilespmem:$0x0]  }
0xde: {  	_ =	swait.ge [sflag:s24], $0x2000  }
0xdf: {  	[sflag:s24] =	ssyncset.done $0x0  }
0xe0: {  	[sflag:s24] =	ssyncadd.s32 $0xFFFFE000  }
0xe1: {  	[tilespmem:s23], [sflag:$0x1] =	stream.indirect.gather [hbm4b:s2+s26], $0x80, s21, s26, $0xb8;
	v63 =	vld [tilespmem:$0x0]  }
0xe2: {  	_ = 	snop  }
0xe3: {  	[tilespmem:s29], [sflag:$0x2] =	stream.indirect.gather [hbm4b:s2+s26], $0x80, s28, s26, $0xb8;
	v63 =	vld [tilespmem:$0x0]  }
0xe4: {  	_ = 	snop  }
0xe5: {  	[tilespmem:s31], [sflag:$0x3] =	stream.indirect.gather [hbm4b:s2+s26], $0x80, s30, s26, $0xb8;
	v63 =	vld [tilespmem:$0x0]  }
0xe6: {  	_ =	swait.ge [sflag:s0], $0x2000  }
0xe7: {  	[sflag:s0] =	ssyncset.done $0x0  }
0xe8: {  	[sflag:s0] =	ssyncadd.s32 $0xFFFFE000  }
0xe9: {  	[spmem:s6] =	stream.indirect.scatter.add.f32 [tilespmem:s23], [sflag:$0x5], $0x80, s25, s26, $0xb8;
	v63 =	vld [tilespmem:$0x0]  }
0xea: {  	_ = 	snop  }
0xeb: {  	[tilespmem:s9], [sflag:$0x4] =	stream.indirect.gather [hbm4b:s2+s26], $0x80, s8, s26, $0xb8;
	v63 =	vld [tilespmem:$0x0]  }
0xec: {  	_ =	swait.ge [sflag:s5], $0x2000  }
0xed: {  	[sflag:s5] =	ssyncset.done $0x0  }
0xee: {  	[sflag:s5] =	ssyncadd.s32 $0xFFFFE000  }
0xef: {  	[spmem:s6] =	stream.indirect.scatter.add.f32 [tilespmem:s29], [sflag:$0x6], $0x80, s12, s26, $0xb8;
	v63 =	vld [tilespmem:$0x0]  }
0xf0: {  	_ =	swait.ge [sflag:s13], $0x2000  }
0xf1: {  	[sflag:s13] =	ssyncset.done $0x0  }
0xf2: {  	s22 =	simm.s32 $0x200;
	[sflag:s13] =	ssyncadd.s32 $0xFFFFE000  }
0xf3: {  	[tilespmem:s23], [sflag:$0x1] =	stream.indirect.gather [hbm4b:s2+s26], $0x80, s22, s26, $0xb8;
	v63 =	vld [tilespmem:$0x0]  }
0xf4: {  	_ =	swait.ge [sflag:s14], $0x2000  }
0xf5: {  	[sflag:s14] =	ssyncset.done $0x0  }
0xf6: {  	s7 =	simm.s32 $0x2100;
	[sflag:s14] =	ssyncadd.s32 $0xFFFFE000  }
0xf7: {  	[spmem:s6] =	stream.indirect.scatter.add.f32 [tilespmem:s31], [sflag:$0x7], $0x80, s7, s26, $0xb8;
	v63 =	vld [tilespmem:$0x0]  }
0xf8: {  	_ =	swait.ge [sflag:s15], $0x2000  }
0xf9: {  	[sflag:s15] =	ssyncset.done $0x0  }
0xfa: {  	s22 =	simm.s32 $0x280;
	[sflag:s15] =	ssyncadd.s32 $0xFFFFE000  }
0xfb: {  	[tilespmem:s29], [sflag:$0x2] =	stream.indirect.gather [hbm4b:s2+s26], $0x80, s22, s26, $0xb8;
	v63 =	vld [tilespmem:$0x0]  }
0xfc: {  	_ =	swait.ge [sflag:s16], $0x2000  }
0xfd: {  	[sflag:s16] =	ssyncset.done $0x0  }
0xfe: {  	s7 =	simm.s32 $0x2180;
	[sflag:s16] =	ssyncadd.s32 $0xFFFFE000  }
0xff: {  	[spmem:s6] =	stream.indirect.scatter.add.f32 [tilespmem:s9], [sflag:$0x8], $0x80, s7, s26, $0xb8;
	v63 =	vld [tilespmem:$0x0]  }
0x100: {  	_ =	swait.ge [sflag:s17], $0x2000  }
0x101: {  	[sflag:s17] =	ssyncset.done $0x0  }
0x102: {  	s22 =	simm.s32 $0x300;
	[sflag:s17] =	ssyncadd.s32 $0xFFFFE000  }
0x103: {  	[tilespmem:s31], [sflag:$0x3] =	stream.indirect.gather [hbm4b:s2+s26], $0x80, s22, s26, $0xb8;
	v63 =	vld [tilespmem:$0x0]  }
0x104: {  	_ =	swait.ge [sflag:s0], $0x2000  }
0x105: {  	[sflag:s0] =	ssyncset.done $0x0  }
0x106: {  	s7 =	simm.s32 $0x2200;
	[sflag:s0] =	ssyncadd.s32 $0xFFFFE000  }
0x107: {  	[spmem:s6] =	stream.indirect.scatter.add.f32 [tilespmem:s23], [sflag:$0x5], $0x80, s7, s26, $0xb8;
	v63 =	vld [tilespmem:$0x0]  }
0x108: {  	_ =	swait.ge [sflag:s18], $0x2000  }
0x109: {  	[sflag:s18] =	ssyncset.done $0x0  }
0x10a: {  	s22 =	simm.s32 $0x380;
	[sflag:s18] =	ssyncadd.s32 $0xFFFFE000  }
0x10b: {  	[tilespmem:s9], [sflag:$0x4] =	stream.indirect.gather [hbm4b:s2+s26], $0x80, s22, s26, $0xb8;
	v63 =	vld [tilespmem:$0x0]  }
0x10c: {  	_ =	swait.ge [sflag:s5], $0x2000  }
0x10d: {  	[sflag:s5] =	ssyncset.done $0x0  }
0x10e: {  	s7 =	simm.s32 $0x2280;
	s22 =	simm.s32 $0x800;
	[sflag:s5] =	ssyncadd.s32 $0xFFFFE000  }
.LBB2_9:
0x10f: {  	[spmem:s6] =	stream.indirect.scatter.add.f32 [tilespmem:s29], [sflag:$0x6], $0x80, s7, s26, $0xb8;
	v63 =	vld [tilespmem:$0x0]  }
0x110: {  	s3 =	smov.u32 s22  }
0x111: {  	p1 =	sne.s32 s22, $0x7000;
	s22 =	sadd.s32 $0x800, s22;
	_ =	swait.ge [sflag:s13], $0x2000  }
0x112: {  	s7 =	sshra.s32 s3, $0x2;
	[sflag:s13] =	ssyncset.done $0x0  }
0x113: {  	s3 =	sadd.s32 $0x200, s7;
	[sflag:s13] =	ssyncadd.s32 $0xFFFFE000  }
0x114: {  	[tilespmem:s23], [sflag:$0x1] =	stream.indirect.gather [hbm4b:s2+s26], $0x80, s3, s26, $0xb8;
	v63 =	vld [tilespmem:$0x0]  }
0x115: {  	_ =	swait.ge [sflag:s14], $0x2000  }
0x116: {  	[sflag:s14] =	ssyncset.done $0x0  }
0x117: {  	s3 =	sadd.s32 $0x2100, s7;
	[sflag:s14] =	ssyncadd.s32 $0xFFFFE000  }
0x118: {  	[spmem:s6] =	stream.indirect.scatter.add.f32 [tilespmem:s31], [sflag:$0x7], $0x80, s3, s26, $0xb8;
	v63 =	vld [tilespmem:$0x0]  }
0x119: {  	_ =	swait.ge [sflag:s15], $0x2000  }
0x11a: {  	[sflag:s15] =	ssyncset.done $0x0  }
0x11b: {  	s3 =	sadd.s32 $0x280, s7;
	[sflag:s15] =	ssyncadd.s32 $0xFFFFE000  }
0x11c: {  	[tilespmem:s29], [sflag:$0x2] =	stream.indirect.gather [hbm4b:s2+s26], $0x80, s3, s26, $0xb8;
	v63 =	vld [tilespmem:$0x0]  }
0x11d: {  	_ =	swait.ge [sflag:s16], $0x2000  }
0x11e: {  	[sflag:s16] =	ssyncset.done $0x0  }
0x11f: {  	s3 =	sadd.s32 $0x2180, s7;
	[sflag:s16] =	ssyncadd.s32 $0xFFFFE000  }
0x120: {  	[spmem:s6] =	stream.indirect.scatter.add.f32 [tilespmem:s9], [sflag:$0x8], $0x80, s3, s26, $0xb8;
	v63 =	vld [tilespmem:$0x0]  }
0x121: {  	_ =	swait.ge [sflag:s17], $0x2000  }
0x122: {  	[sflag:s17] =	ssyncset.done $0x0  }
0x123: {  	s3 =	sadd.s32 $0x300, s7;
	[sflag:s17] =	ssyncadd.s32 $0xFFFFE000  }
0x124: {  	[tilespmem:s31], [sflag:$0x3] =	stream.indirect.gather [hbm4b:s2+s26], $0x80, s3, s26, $0xb8;
	v63 =	vld [tilespmem:$0x0]  }
0x125: {  	_ =	swait.ge [sflag:s0], $0x2000  }
0x126: {  	[sflag:s0] =	ssyncset.done $0x0  }
0x127: {  	s3 =	sadd.s32 $0x2200, s7;
	[sflag:s0] =	ssyncadd.s32 $0xFFFFE000  }
0x128: {  	[spmem:s6] =	stream.indirect.scatter.add.f32 [tilespmem:s23], [sflag:$0x5], $0x80, s3, s26, $0xb8;
	v63 =	vld [tilespmem:$0x0]  }
0x129: {  	_ =	swait.ge [sflag:s18], $0x2000  }
0x12a: {  	[sflag:s18] =	ssyncset.done $0x0  }
.Ltmp7:
0x12b: {  	s3 =	sadd.s32 $0x380, s7;
	[sflag:s18] =	ssyncadd.s32 $0xFFFFE000;
	(pc) =	sbr.rel @p1 .LBB2_9-.Ltmp7, $4  }
0x12c: {  	[tilespmem:s9], [sflag:$0x4] =	stream.indirect.gather [hbm4b:s2+s26], $0x80, s3, s26, $0xb8;
	v63 =	vld [tilespmem:$0x0]  }
0x12d: {  	_ =	swait.ge [sflag:s5], $0x2000  }
0x12e: {  	[sflag:s5] =	ssyncset.done $0x0  }
0x12f: {  	s7 =	sadd.s32 $0x2280, s7;
	[sflag:s5] =	ssyncadd.s32 $0xFFFFE000  }
0x130: {  	[spmem:s6] =	stream.indirect.scatter.add.f32 [tilespmem:s29], [sflag:$0x6], $0x80, s7, s26, $0xb8;
	v63 =	vld [tilespmem:$0x0]  }
0x131: {  	_ =	swait.ge [sflag:s14], $0x2000  }
0x132: {  	[sflag:s14] =	ssyncset.done $0x0  }
0x133: {  	[sflag:s14] =	ssyncadd.s32 $0xFFFFE000  }
0x134: {  	[spmem:s6] =	stream.indirect.scatter.add.f32 [tilespmem:s31], [sflag:$0x7], $0x80, s19, s26, $0xb8;
	v63 =	vld [tilespmem:$0x0]  }
0x135: {  	_ =	swait.ge [sflag:s16], $0x2000  }
0x136: {  	[sflag:s16] =	ssyncset.done $0x0  }
0x137: {  	[sflag:s16] =	ssyncadd.s32 $0xFFFFE000  }
0x138: {  	[spmem:s6] =	stream.indirect.scatter.add.f32 [tilespmem:s9], [sflag:$0x8], $0x80, s20, s26, $0xb8;
	v63 =	vld [tilespmem:$0x0]  }
0x139: {  	_ =	swait.ge [sflag:s13], $0x2000  }
0x13a: {  	[sflag:s13] =	ssyncset.done $0x0  }
0x13b: {  	[sflag:s13] =	ssyncadd.s32 $0xFFFFE000  }
0x13c: {  	_ =	swait.ge [sflag:s15], $0x2000  }
0x13d: {  	[sflag:s15] =	ssyncset.done $0x0  }
0x13e: {  	s10 =	sadd.s32 $0x1, s10;
	[sflag:s15] =	ssyncadd.s32 $0xFFFFE000  }
0x13f: {  	p1 =	sne.s32 s10, $0x5;
	_ =	swait.ge [sflag:s17], $0x2000  }
.Ltmp8:
0x140: {  	[sflag:s17] =	ssyncset.done $0x0;
	(pc) =	sbr.rel @p1 .LBB2_8-.Ltmp8, $4  }
0x141: {  	[sflag:s17] =	ssyncadd.s32 $0xFFFFE000  }
0x142: {  	_ =	swait.ge [sflag:s18], $0x2000  }
0x143: {  	[sflag:s18] =	ssyncset.done $0x0  }
0x144: {  	[sflag:s18] =	ssyncadd.s32 $0xFFFFE000  }
.Ltmp9:
0x145: {  	(pc) =	sbr.rel .LBB2_12-.Ltmp9, $3  }
0x146: {  	_ =	sdelay $0x1  }
0x147: {  	s7 =	rddreg [dreg:$0x9]  }
0x148: {  	s21 =	rddreg [dreg:$0x7]  }
.LBB2_13:
0x149: {  	_ =	sfence.sel $0x180000  }
0x14a: {  	[bflag:$0x0] =	sbarrier.arrive $0xFFFF  }
0x14b: {  	_ =	strace $0x90000047  }
0x14c: {  	s0 =	stileid.u32;
	[bflag:$0x2] =	sbarrier.arrive $0xFFFF  }
0x14d: {  	p0 =	sne.s32 s0, $0x0;
	s0 =	rddreg [dreg:$0x6]  }
0x14e: {  	s0 =	sadd.s32 @!p0 $0x100000, s0  }
0x14f: {  	[sflag:s0] =	ssyncadd.tile.s32 @!p0 $0x1;
	_ =	shalt  }
.Lfunc_end2:
_tile_overlayer_lowered:
.L_overlay_start_2:
0x150: {  	(tag) =	ssettag $0x2  }
0x151: {  	s0 =	rddreg [dreg:$0x0];
	s2 =	stileid.u32  }
0x152: {  	s1 =	rddreg [dreg:$0x1];
	p0 =	sne.s32 s2, $0x0  }
0x153: {  	s3 =	rddreg [dreg:$0x2];
	[bflag:$0x3] =	sbarrier.arrive $0xFFFF;
	s2 =	simm.s32 @!p0 $0x1C09  }
0x154: {  	[timem:s3], [sflag:s2] =	dma.local @!p0 [hbm:s0], s1  }
0x155: {  	s0 =	simm.s32 @!p0 $0x9  }
0x156: {  	_ =	swait.ge @!p0 [sflag:s0], s1  }
0x157: {  	s1 =	ssub.s32 @!p0 $0x0, s1;
	[sflag:s0] =	ssyncset.done @!p0 $0x0  }
0x158: {  	[sflag:s0] =	ssyncadd.s32 @!p0 s1  }
0x159: {  	[bflag:$0x3] =	sbarrier.arrive $0xFFFF  }
0x15a: {  	_ =	shalt  }

</sc_bundles>
